<compile_context>
chip_gen: v7x
topology: tpu7x:2x2x1
jax: 0.10.2.dev20260603
libtpu: 0.0.44.dev20260713+nightly
codegen_flags: <defaults>
</compile_context>

<pallas_src>
import functools

import jax
import jax.numpy as jnp
import numpy as np
from jax.experimental import pallas as pl
from jax.experimental.pallas import tpu as pltpu


def _square_distance(src, dst):
    dist = -2.0 * jnp.matmul(src, jnp.swapaxes(dst, 1, 2))
    dist = dist + jnp.sum(src ** 2, -1)[:, :, None]
    dist = dist + jnp.sum(dst ** 2, -1)[:, None, :]
    return dist


def _index_points(points, idx):
    return jax.vmap(lambda p, i: p[i])(points, idx)


def _fps(xyz, npoint):
    B, N, _ = xyz.shape

    def body(i, state):
        centroids, distance, farthest = state
        centroids = centroids.at[:, i].set(farthest)
        centroid = jax.vmap(lambda p, f: p[f])(xyz, farthest)[:, None, :]
        dist = jnp.sum((xyz - centroid) ** 2, -1)
        distance = jnp.minimum(distance, dist)
        farthest = jnp.argmax(distance, axis=-1).astype(jnp.int32)
        return centroids, distance, farthest

    init = (jnp.zeros((B, npoint), jnp.int32), jnp.full((B, N), 1e10, jnp.float32), jnp.zeros((B,), jnp.int32))
    centroids, _, _ = jax.lax.fori_loop(0, npoint, body, init)
    return centroids


def _query_ball(radius, nsample, xyz, new_xyz):
    B, N, _ = xyz.shape
    S = new_xyz.shape[1]
    sqrdists = _square_distance(new_xyz, xyz)
    group_idx = jnp.broadcast_to(jnp.arange(N, dtype=jnp.int32), (B, S, N))
    group_idx = jnp.where(sqrdists > radius ** 2, N, group_idx)
    group_idx = jnp.sort(group_idx, axis=-1)[:, :, :nsample]
    group_first = jnp.broadcast_to(group_idx[:, :, :1], group_idx.shape)
    group_idx = jnp.where(group_idx == N, group_first, group_idx)
    return group_idx


def _batchnorm(x, gamma, beta, axes):
    mean = jnp.mean(x, axis=axes, keepdims=True)
    var = jnp.var(x, axis=axes, keepdims=True)
    shape = [1] * x.ndim
    shape[1] = -1
    return (x - mean) / jnp.sqrt(var + 1e-5) * gamma.reshape(shape) + beta.reshape(shape)


def _sample_and_group(npoint, radius, nsample, xyz, points):
    fps_idx = _fps(xyz, npoint)
    new_xyz = _index_points(xyz, fps_idx)
    idx = _query_ball(radius, nsample, xyz, new_xyz)
    grouped_xyz = _index_points(xyz, idx)
    grouped_xyz_norm = grouped_xyz - new_xyz[:, :, None, :]
    if points is not None:
        grouped_points = _index_points(points, idx)
        new_points = jnp.concatenate([grouped_xyz_norm, grouped_points], axis=-1)
    else:
        new_points = grouped_xyz_norm
    return new_xyz, new_points


def _set_abstraction(xyz, points, npoint, radius, nsample, p):
    xyz_t = jnp.swapaxes(xyz, 1, 2)
    points_t = jnp.swapaxes(points, 1, 2) if points is not None else None
    new_xyz, new_points = _sample_and_group(npoint, radius, nsample, xyz_t, points_t)
    new_points = jnp.transpose(new_points, (0, 3, 2, 1))
    for W, b, g, be in zip(p['w'], p['b'], p['g'], p['beta']):
        new_points = jnp.einsum('oc,bcks->boks', W, new_points) + b[None, :, None, None]
        new_points = jax.nn.relu(_batchnorm(new_points, g, be, (0, 2, 3)))
    new_points = jnp.max(new_points, axis=2)
    return jnp.swapaxes(new_xyz, 1, 2), new_points


def _feature_propagation(xyz1, xyz2, points1, points2, p):
    xyz1 = jnp.swapaxes(xyz1, 1, 2)
    xyz2 = jnp.swapaxes(xyz2, 1, 2)
    points2_t = jnp.swapaxes(points2, 1, 2)
    B, N, _ = xyz1.shape
    dists = _square_distance(xyz1, xyz2)
    idx = jnp.argsort(dists, axis=-1)[:, :, :3]
    d3 = jnp.take_along_axis(dists, idx, axis=-1)
    dist_recip = 1.0 / (d3 + 1e-8)
    norm = jnp.sum(dist_recip, axis=2, keepdims=True)
    weight = dist_recip / norm
    interpolated = jnp.sum(_index_points(points2_t, idx) * weight[:, :, :, None], axis=2)
    if points1 is not None:
        new_points = jnp.concatenate([jnp.swapaxes(points1, 1, 2), interpolated], axis=-1)
    else:
        new_points = interpolated
    new_points = jnp.swapaxes(new_points, 1, 2)
    for W, b, g, be in zip(p['w'], p['b'], p['g'], p['beta']):
        new_points = jnp.einsum('oc,bcn->bon', W, new_points) + b[None, :, None]
        new_points = jax.nn.relu(_batchnorm(new_points, g, be, (0, 2)))
    return new_points


def _final_kernel(x_ref, w_ref, b_ref, o_ref):
    x = x_ref[0]
    w = w_ref[...]
    y = jax.lax.dot_general(w, x, (((1,), (0,)), ((), ())),
                            preferred_element_type=jnp.float32)
    y = y + b_ref[...][:, None]
    m = jnp.max(y, axis=0, keepdims=True)
    lse = m + jnp.log(jnp.sum(jnp.exp(y - m), axis=0, keepdims=True))
    o_ref[0] = y - lse


def kernel(points, params):
    l0_points = points
    l0_xyz = points[:, :3, :]
    l1_xyz, l1_points = _set_abstraction(l0_xyz, l0_points, 1024, 0.1, 32, params['sa1'])
    l2_xyz, l2_points = _set_abstraction(l1_xyz, l1_points, 256, 0.2, 32, params['sa2'])
    l3_xyz, l3_points = _set_abstraction(l2_xyz, l2_points, 64, 0.4, 32, params['sa3'])
    l4_xyz, l4_points = _set_abstraction(l3_xyz, l3_points, 16, 0.8, 32, params['sa4'])
    l3_points = _feature_propagation(l3_xyz, l4_xyz, l3_points, l4_points, params['fp4'])
    l2_points = _feature_propagation(l2_xyz, l3_xyz, l2_points, l3_points, params['fp3'])
    l1_points = _feature_propagation(l1_xyz, l2_xyz, l1_points, l2_points, params['fp2'])
    l0_feat = _feature_propagation(l0_xyz, l1_xyz, None, l1_points, params['fp1'])
    x = jnp.einsum('oc,bcn->bon', params['conv1_w'], l0_feat) + params['conv1_b'][None, :, None]
    x = jax.nn.relu(_batchnorm(x, params['bn1_g'], params['bn1_b'], (0, 2)))
    B, _, N = x.shape
    out = pl.pallas_call(
        _final_kernel,
        grid=(B,),
        in_specs=[
            pl.BlockSpec((1, 128, N), lambda b: (b, 0, 0)),
            pl.BlockSpec((13, 128), lambda b: (0, 0)),
            pl.BlockSpec((13,), lambda b: (0,)),
        ],
        out_specs=pl.BlockSpec((1, 13, N), lambda b: (b, 0, 0)),
        out_shape=jax.ShapeDtypeStruct((B, 13, N), jnp.float32),
    )(x, params['conv2_w'], params['conv2_b'])
    return jnp.transpose(out, (0, 2, 1))

# --- scband reference (transcript-rebuilt; emitter-appended) ---
"""Pipeline reference for scband-point-net2-segmentation-73065983639807 (READ-ONLY COPY).

The authoritative reference and input builder live on the scoring server;
editing this copy changes nothing except your own understanding.
"""

import jax, jax.numpy as jnp
import numpy as np


def square_distance(src, dst):
    dist = -2.0 * jnp.matmul(src, jnp.swapaxes(dst, 1, 2))
    dist = dist + jnp.sum(src ** 2, -1)[:, :, None]
    dist = dist + jnp.sum(dst ** 2, -1)[:, None, :]
    return dist


def index_points(points, idx):
    return jax.vmap(lambda p, i: p[i])(points, idx)


def farthest_point_sample(xyz, npoint):
    xyz = jax.lax.stop_gradient(xyz)
    B, N, _ = xyz.shape

    def body(i, state):
        centroids, distance, farthest = state
        centroids = centroids.at[:, i].set(farthest)
        centroid = jax.vmap(lambda p, f: p[f])(xyz, farthest)[:, None, :]
        dist = jnp.sum((xyz - centroid) ** 2, -1)
        distance = jnp.minimum(distance, dist)
        farthest = jnp.argmax(distance, axis=-1).astype(jnp.int32)
        return centroids, distance, farthest

    init = (jnp.zeros((B, npoint), jnp.int32), jnp.full((B, N), 1e10, jnp.float32), jnp.zeros((B,), jnp.int32))
    centroids, _, _ = jax.lax.fori_loop(0, npoint, body, init)
    return centroids


def query_ball_point(radius, nsample, xyz, new_xyz):
    B, N, _ = xyz.shape
    S = new_xyz.shape[1]
    sqrdists = square_distance(new_xyz, xyz)
    group_idx = jnp.broadcast_to(jnp.arange(N, dtype=jnp.int32), (B, S, N))
    group_idx = jnp.where(sqrdists > radius ** 2, N, group_idx)
    group_idx = jnp.sort(group_idx, axis=-1)[:, :, :nsample]
    group_first = jnp.broadcast_to(group_idx[:, :, :1], group_idx.shape)
    group_idx = jnp.where(group_idx == N, group_first, group_idx)
    return group_idx


def batchnorm(x, gamma, beta, axes):
    mean = jnp.mean(x, axis=axes, keepdims=True)
    var = jnp.var(x, axis=axes, keepdims=True)
    shape = [1] * x.ndim
    shape[1] = -1
    return (x - mean) / jnp.sqrt(var + 1e-5) * gamma.reshape(shape) + beta.reshape(shape)


def sample_and_group(npoint, radius, nsample, xyz, points):
    B, N, C = xyz.shape
    fps_idx = farthest_point_sample(xyz, npoint)
    new_xyz = index_points(xyz, fps_idx)
    idx = query_ball_point(radius, nsample, xyz, new_xyz)
    grouped_xyz = index_points(xyz, idx)
    grouped_xyz_norm = grouped_xyz - new_xyz[:, :, None, :]
    if points is not None:
        grouped_points = index_points(points, idx)
        new_points = jnp.concatenate([grouped_xyz_norm, grouped_points], axis=-1)
    else:
        new_points = grouped_xyz_norm
    return new_xyz, new_points


def set_abstraction(xyz, points, npoint, radius, nsample, p):
    xyz_t = jnp.swapaxes(xyz, 1, 2)
    points_t = jnp.swapaxes(points, 1, 2) if points is not None else None
    new_xyz, new_points = sample_and_group(npoint, radius, nsample, xyz_t, points_t)
    new_points = jnp.transpose(new_points, (0, 3, 2, 1))
    for W, b, g, be in zip(p['w'], p['b'], p['g'], p['beta']):
        new_points = jnp.einsum('oc,bcks->boks', W, new_points) + b[None, :, None, None]
        new_points = jax.nn.relu(batchnorm(new_points, g, be, (0, 2, 3)))
    new_points = jnp.max(new_points, axis=2)
    return jnp.swapaxes(new_xyz, 1, 2), new_points


def feature_propagation(xyz1, xyz2, points1, points2, p):
    xyz1 = jnp.swapaxes(xyz1, 1, 2)
    xyz2 = jnp.swapaxes(xyz2, 1, 2)
    points2_t = jnp.swapaxes(points2, 1, 2)
    B, N, _ = xyz1.shape
    S = xyz2.shape[1]
    if S == 1:
        interpolated = jnp.repeat(points2_t, N, axis=1)
    else:
        dists = square_distance(xyz1, xyz2)
        idx = jnp.argsort(dists, axis=-1)[:, :, :3]
        d3 = jnp.take_along_axis(dists, idx, axis=-1)
        dist_recip = 1.0 / (d3 + 1e-8)
        norm = jnp.sum(dist_recip, axis=2, keepdims=True)
        weight = dist_recip / norm
        interpolated = jnp.sum(index_points(points2_t, idx) * weight[:, :, :, None], axis=2)
    if points1 is not None:
        new_points = jnp.concatenate([jnp.swapaxes(points1, 1, 2), interpolated], axis=-1)
    else:
        new_points = interpolated
    new_points = jnp.swapaxes(new_points, 1, 2)
    for W, b, g, be in zip(p['w'], p['b'], p['g'], p['beta']):
        new_points = jnp.einsum('oc,bcn->bon', W, new_points) + b[None, :, None]
        new_points = jax.nn.relu(batchnorm(new_points, g, be, (0, 2)))
    return new_points


def forward(points, params):
    l0_points = points
    l0_xyz = points[:, :3, :]
    l1_xyz, l1_points = set_abstraction(l0_xyz, l0_points, 1024, 0.1, 32, params['sa1'])
    l2_xyz, l2_points = set_abstraction(l1_xyz, l1_points, 256, 0.2, 32, params['sa2'])
    l3_xyz, l3_points = set_abstraction(l2_xyz, l2_points, 64, 0.4, 32, params['sa3'])
    l4_xyz, l4_points = set_abstraction(l3_xyz, l3_points, 16, 0.8, 32, params['sa4'])
    l3_points = feature_propagation(l3_xyz, l4_xyz, l3_points, l4_points, params['fp4'])
    l2_points = feature_propagation(l2_xyz, l3_xyz, l2_points, l3_points, params['fp3'])
    l1_points = feature_propagation(l1_xyz, l2_xyz, l1_points, l2_points, params['fp2'])
    l0_feat = feature_propagation(l0_xyz, l1_xyz, None, l1_points, params['fp1'])
    x = jnp.einsum('oc,bcn->bon', params['conv1_w'], l0_feat) + params['conv1_b'][None, :, None]
    x = jax.nn.relu(batchnorm(x, params['bn1_g'], params['bn1_b'], (0, 2)))
    x = jnp.einsum('oc,bcn->bon', params['conv2_w'], x) + params['conv2_b'][None, :, None]
    x = jax.nn.log_softmax(x, axis=1)
    return jnp.transpose(x, (0, 2, 1))


def _mlp_params(key, cin, mlp):
    ws, bs, gs, betas = [], [], [], []
    c = cin
    for out in mlp:
        key, k = jax.random.split(key)
        ws.append(jax.random.normal(k, (out, c), jnp.float32) / np.sqrt(c))
        bs.append(jnp.zeros((out,), jnp.float32))
        gs.append(jnp.ones((out,), jnp.float32))
        betas.append(jnp.zeros((out,), jnp.float32))
        c = out
    return {'w': ws, 'b': bs, 'g': gs, 'beta': betas}


def setup_inputs(seed: int = 0):
    key = jax.random.key(seed)
    ks = jax.random.split(key, 12)
    B, C, N, num_classes = 8, 9, 4096, 13
    points = jax.random.normal(ks[0], (B, C, N), jnp.float32)
    params = {
        'sa1': _mlp_params(ks[1], 9 + 3, [32, 32, 64]),
        'sa2': _mlp_params(ks[2], 64 + 3, [64, 64, 128]),
        'sa3': _mlp_params(ks[3], 128 + 3, [128, 128, 256]),
        'sa4': _mlp_params(ks[4], 256 + 3, [256, 256, 512]),
        'fp4': _mlp_params(ks[5], 768, [256, 256]),
        'fp3': _mlp_params(ks[6], 384, [256, 256]),
        'fp2': _mlp_params(ks[7], 320, [256, 128]),
        'fp1': _mlp_params(ks[8], 128, [128, 128, 128]),
        'conv1_w': jax.random.normal(ks[9], (128, 128), jnp.float32) / np.sqrt(128),
        'conv1_b': jnp.zeros((128,), jnp.float32),
        'bn1_g': jnp.ones((128,), jnp.float32),
        'bn1_b': jnp.zeros((128,), jnp.float32),
        'conv2_w': jax.random.normal(ks[10], (num_classes, 128), jnp.float32) / np.sqrt(128),
        'conv2_b': jnp.zeros((num_classes,), jnp.float32),
    }
    return {'points': points, 'params': params}


def reference(points, params):
    return forward(points, params)

if __name__ == "__main__":
    import jax
    _d = setup_inputs()
    print(jax.jit(kernel)(*tuple(_d.values())))

</pallas_src>

<mosaic_0001>
module attributes {stable_mosaic.version = 14 : i64} {
  func.func @_final_kernel(%arg0: i32, %arg1: memref<1x128x4096xf32, #tpu.memory_space<vmem>>, %arg2: memref<13x128xf32, #tpu.memory_space<vmem>>, %arg3: memref<13xf32, #tpu.memory_space<vmem>>, %arg4: memref<1x13x4096xf32, #tpu.memory_space<vmem>>) attributes {dimension_semantics = [#tpu.dimension_semantics<arbitrary>], iteration_bounds = array<i64: 8>, scalar_prefetch = 0 : i64, scratch_operands = 0 : i64, tpu.core_type = #tpu.core_type<tc>, window_params = [{transform_indices = @transform_0, window_bounds = array<i64: 1, 128, 4096>}, {pipeline_mode = #tpu.pipeline_mode<synchronous>, transform_indices = @transform_1, window_bounds = array<i64: 13, 128>}, {pipeline_mode = #tpu.pipeline_mode<synchronous>, transform_indices = @transform_2, window_bounds = array<i64: 13>}, {transform_indices = @transform_3, window_bounds = array<i64: 1, 13, 4096>}]} {
    %get3A = arith.constant 0 : index
    %get3A_0 = arith.constant 0 : index
    %get3A_1 = arith.constant 0 : index
    %get3A_2 = vector.load %arg1[%get3A, %get3A_0, %get3A_1] : memref<1x128x4096xf32, #tpu.memory_space<vmem>>, vector<1x128x4096xf32>
    %get3A_3 = vector.shape_cast %get3A_2 : vector<1x128x4096xf32> to vector<128x4096xf32>
    %get3A_4 = arith.constant 0 : index
    %get3A_5 = arith.constant 0 : index
    %get3A_6 = vector.load %arg2[%get3A_4, %get3A_5] : memref<13x128xf32, #tpu.memory_space<vmem>>, vector<13x128xf32>
    %dot_general3A = arith.constant dense<0.000000e+00> : vector<13x4096xf32>
    %dot_general3A_7 = tpu.matmul %get3A_6, %get3A_3, %dot_general3A {dimension_numbers = #tpu.dot_dimension_numbers<[1], [0], [0], [1], [0, 0, 1, 1], [], []>, transpose_lhs_hint = false} : vector<13x128xf32>, vector<128x4096xf32>, vector<13x4096xf32> -> vector<13x4096xf32>
    %get3A_8 = arith.constant 0 : index
    %get3A_9 = vector.load %arg3[%get3A_8] : memref<13xf32, #tpu.memory_space<vmem>>, vector<13xf32>
    %broadcast_in_dim3A = vector.shape_cast %get3A_9 : vector<13xf32> to vector<13x1xf32>
    %add3A = vector.broadcast %broadcast_in_dim3A : vector<13x1xf32> to vector<13x4096xf32>
    %add3A_10 = arith.addf %dot_general3A_7, %add3A : vector<13x4096xf32>
    %reduce_max3A = arith.constant dense<0xFF800000> : vector<4096xf32>
    %reduce_max3A_11 = vector.multi_reduction <maximumf>, %add3A_10, %reduce_max3A [0] : vector<13x4096xf32> to vector<4096xf32>
    %broadcast_in_dim3A_12 = vector.shape_cast %reduce_max3A_11 : vector<4096xf32> to vector<1x4096xf32>
    %sub3A = vector.broadcast %broadcast_in_dim3A_12 : vector<1x4096xf32> to vector<13x4096xf32>
    %sub3A_13 = arith.subf %add3A_10, %sub3A : vector<13x4096xf32>
    %exp3A = math.exp %sub3A_13 : vector<13x4096xf32>
    %reduce_sum3A = arith.constant dense<0.000000e+00> : vector<4096xf32>
    %reduce_sum3A_14 = vector.multi_reduction <add>, %exp3A, %reduce_sum3A [0] : vector<13x4096xf32> to vector<4096xf32>
    %broadcast_in_dim3A_15 = vector.shape_cast %reduce_sum3A_14 : vector<4096xf32> to vector<1x4096xf32>
    %log3A = math.log %broadcast_in_dim3A_15 : vector<1x4096xf32>
    %add3A_16 = arith.addf %broadcast_in_dim3A_12, %log3A : vector<1x4096xf32>
    %sub3A_17 = vector.broadcast %add3A_16 : vector<1x4096xf32> to vector<13x4096xf32>
    %sub3A_18 = arith.subf %add3A_10, %sub3A_17 : vector<13x4096xf32>
    %swap3A = arith.constant 0 : index
    %swap3A_19 = arith.constant 0 : index
    %swap3A_20 = arith.constant 0 : index
    %swap3A_21 = vector.load %arg4[%swap3A, %swap3A_19, %swap3A_20] : memref<1x13x4096xf32, #tpu.memory_space<vmem>>, vector<1x13x4096xf32>
    %swap3A_22 = vector.shape_cast %swap3A_21 : vector<1x13x4096xf32> to vector<13x4096xf32>
    %swap3A_23 = vector.shape_cast %sub3A_18 : vector<13x4096xf32> to vector<1x13x4096xf32>
    tpu.vector_store %arg4[%swap3A, %swap3A_19, %swap3A_20], %swap3A_23 {strides = array<i32>} : memref<1x13x4096xf32, #tpu.memory_space<vmem>>, vector<1x13x4096xf32>,
    return
  }
  func.func @transform_0(%arg0: i32) -> (i32, i32, i32) {
    %c0_i32 = arith.constant 0 : i32
    %c0_i32_0 = arith.constant 0 : i32
    %c0_i32_1 = arith.constant 0 : i32
    return %arg0, %c0_i32, %c0_i32_0 : i32, i32, i32
  }
  func.func @transform_1(%arg0: i32) -> (i32, i32) {
    %c0_i32 = arith.constant 0 : i32
    %c0_i32_0 = arith.constant 0 : i32
    %c0_i32_1 = arith.constant 0 : i32
    return %c0_i32, %c0_i32_0 : i32, i32
  }
  func.func @transform_2(%arg0: i32) -> i32 {
    %c0_i32 = arith.constant 0 : i32
    %c0_i32_0 = arith.constant 0 : i32
    return %c0_i32 : i32
  }
  func.func @transform_3(%arg0: i32) -> (i32, i32, i32) {
    %c0_i32 = arith.constant 0 : i32
    %c0_i32_0 = arith.constant 0 : i32
    %c0_i32_1 = arith.constant 0 : i32
    return %arg0, %c0_i32, %c0_i32_0 : i32, i32, i32
  }
}

</mosaic_0001>

<sc_bundles>
// kernel: gather_offload_async_start.1
scs
__scs_entry_jumppad:
0x0: {  	(pc) =	sbr.rel $0x88, $3  }
0x1: {  	(tag) =	ssettag $0x0;
	lr =	simm.s32 $0x1  }
0x2: {  	[smem:$0x3F46] =	sst lr;
	_ =	strace $0xD0000000  }
0x3: {  	_ = 	snop  }
0x4: {  	_ = 	snop  }
0x5: {  	_ = 	snop  }
0x6: {  	_ = 	snop  }
0x7: {  	_ = 	snop  }
__scs_overlays_trampoline_lowered:
0x8: {  	[smem:$0x3F55] =	sst s0  }
0x9: {  	[smem:$0x3F56] =	sst s1  }
0xa: {  	[smem:$0x3F57] =	sst s2  }
0xb: {  	[smem:$0x3F58] =	sst s3  }
0xc: {  	[smem:$0x3F59] =	sst s4  }
0xd: {  	[smem:$0x3F5A] =	sst s5  }
0xe: {  	[smem:$0x3F5B] =	sst s6  }
0xf: {  	[smem:$0x3F5C] =	sst s7  }
0x10: {  	[smem:$0x3F5D] =	sst s8  }
0x11: {  	[smem:$0x3F5E] =	sst s9;
	s0 =	simm.s32 @!p0 $0x0  }
0x12: {  	s1 =	sld [smem:$0x3F44];
	s0 =	simm.s32 @p0 $0x1  }
0x13: {  	[smem:$0x3F5F] =	sst s0;
	s0 =	simm.s32 @!p1 $0x0  }
0x14: {  	s2 =	sld [smem:$0x3F43];
	s0 =	simm.s32 @p1 $0x1  }
0x15: {  	[smem:$0x3F60] =	sst s0;
	s0 =	simm.s32 @!p2 $0x0  }
0x16: {  	s3 =	sld [smem:$0x3FDB];
	s0 =	simm.s32 @p2 $0x1  }
0x17: {  	s4 =	simm.s32 $0x1BF5;
	[smem:$0x3F62] =	sst s0  }
0x18: {  	s0 =	sld [smem:$0x3F45];
	_ =	swait.ge [sflag:s4], $0x0  }
0x19: {  	s7 =	sld [smem:$0x3F46]  }
0x1a: {  	s8 =	sadd.s32 $0xFFFFE003, lr  }
0x1b: {  	s9 =	sadd.s32 $0xFFFFFEF7, lr;
	s5 =	simm.s32 $0xFFFFFFFF;
	p2 =	slt.u32 s8, $0xFFFFF086  }
0x1c: {  	p1 =	slt.u32 s9, $0xF7A;
	s5 =	simm.s32 @!p2 $0x0  }
0x1d: {  	s5 =	simm.s32 @p1 $0x1;
	p0 =	seq.s32 s7, s2  }
0x1e: {  	s7 =	smul.u32 @!p0 $0xF7A, s2;
	p2 =	seq.s32 @!p0 s5, $0x0  }
0x1f: {  	s9 =	smul.u32 $0xF7A, s1;
	s8 =	simm.s32 @!p0 $0x1BF5;
	p2 =	por !p2, p0  }
0x20: {  	[sflag:s8] =	ssyncset.s32 @!p0 $0xFFFFF086;
	s6 =	sadd.s32 @!p0 s3, s7;
	s7 =	simm.s32 @!p0 $0x108  }
0x21: {  	s3 =	sadd.s32 s3, s9;
	s6 =	sadd.s32 @!p0 $0x88, s6;
	s7 =	simm.s32 @p2 $0x1082  }
0x22: {  	[simem:s7], [sflag:s8] =	dma.local @!p0 [hbm:s6], $0xF7A  }
0x23: {  	s9 =	sor.u32 $0xD0000000, s2;
	s6 =	simm.s32 $0x108;
	_ =	swait.ge @!p0 [sflag:s8], $0x0  }
0x24: {  	s3 =	sadd.s32 $0x88, s3;
	s6 =	simm.s32 @!p1 $0x1082;
	[sflag:s4] =	ssyncset.s32 $0xFFFFF086  }
0x25: {  	[simem:s6], [sflag:s4] =	dma.local [hbm:s3], $0xF7A  }
0x26: {  	[smem:$0x3F46] =	sst s1;
	(tag) =	ssettag s2;
	_ =	strace s9  }
0x27: {  	s1 =	sld [smem:$0x3F56]  }
0x28: {  	s2 =	sld [smem:$0x3F57]  }
0x29: {  	s4 =	sld [smem:$0x3F59]  }
0x2a: {  	p0 =	seq.s32 s5, $0x0;
	s5 =	sld [smem:$0x3F5A]  }
0x2b: {  	s6 =	sld [smem:$0x3F5B]  }
0x2c: {  	s7 =	sld [smem:$0x3F5C]  }
0x2d: {  	s3 =	simm.s32 $0x108;
	s8 =	sld [smem:$0x3F5D]  }
0x2e: {  	s3 =	simm.s32 @!p0 $0x1082;
	s9 =	sld [smem:$0x3F5E]  }
0x2f: {  	lr =	sadd.s32 s0, s3;
	s0 =	sld [smem:$0x3F55]  }
0x30: {  	s3 =	sld [smem:$0x3F58]  }
0x31: {  	[smem:$0x3F61] =	sst s10  }
0x32: {  	s10 =	sld [smem:$0x3F5F];
	_ =	sdelay $0x3  }
0x33: {  	p0 =	seq.s32 s10, $0x1;
	s10 =	sld [smem:$0x3F61];
	_ =	sdelay $0x3  }
0x34: {  	[smem:$0x3F61] =	sst s10  }
0x35: {  	s10 =	sld [smem:$0x3F60];
	_ =	sdelay $0x3  }
0x36: {  	p1 =	seq.s32 s10, $0x1;
	s10 =	sld [smem:$0x3F61];
	_ =	sdelay $0x3  }
0x37: {  	[smem:$0x3F61] =	sst s10  }
0x38: {  	s10 =	sld [smem:$0x3F62]  }
0x39: {  	_ = 	snop;
	(pc) =	sbr.ind lr, $3  }
0x3a: {  	_ = 	snop  }
0x3b: {  	_ = 	snop  }
0x3c: {  	p2 =	seq.s32 s10, $0x1;
	s10 =	sld [smem:$0x3F61]  }
0x3d: {  	_ =	shalt  }
0x3e: {  	_ =	shalt  }
0x3f: {  	_ =	shalt  }
0x40: {  	_ =	shalt  }
0x41: {  	_ =	shalt  }
0x42: {  	_ =	shalt  }
0x43: {  	_ =	shalt  }
0x44: {  	_ =	shalt  }
0x45: {  	_ =	shalt  }
0x46: {  	_ =	shalt  }
0x47: {  	_ =	shalt  }
0x48: {  	_ =	shalt  }
0x49: {  	_ =	shalt  }
0x4a: {  	_ =	shalt  }
0x4b: {  	_ =	shalt  }
0x4c: {  	_ =	shalt  }
0x4d: {  	_ =	shalt  }
0x4e: {  	_ =	shalt  }
0x4f: {  	_ =	shalt  }
0x50: {  	_ =	shalt  }
0x51: {  	_ =	shalt  }
0x52: {  	_ =	shalt  }
0x53: {  	_ =	shalt  }
0x54: {  	_ =	shalt  }
0x55: {  	_ =	shalt  }
0x56: {  	_ =	shalt  }
0x57: {  	_ =	shalt  }
0x58: {  	_ =	shalt  }
0x59: {  	_ =	shalt  }
0x5a: {  	_ =	shalt  }
0x5b: {  	_ =	shalt  }
0x5c: {  	_ =	shalt  }
0x5d: {  	_ =	shalt  }
0x5e: {  	_ =	shalt  }
0x5f: {  	_ =	shalt  }
0x60: {  	_ =	shalt  }
0x61: {  	_ =	shalt  }
0x62: {  	_ =	shalt  }
0x63: {  	_ =	shalt  }
0x64: {  	_ =	shalt  }
0x65: {  	_ =	shalt  }
0x66: {  	_ =	shalt  }
0x67: {  	_ =	shalt  }
0x68: {  	_ =	shalt  }
0x69: {  	_ =	shalt  }
0x6a: {  	_ =	shalt  }
0x6b: {  	_ =	shalt  }
0x6c: {  	_ =	shalt  }
0x6d: {  	_ =	shalt  }
0x6e: {  	_ =	shalt  }
0x6f: {  	_ =	shalt  }
0x70: {  	_ =	shalt  }
0x71: {  	_ =	shalt  }
0x72: {  	_ =	shalt  }
0x73: {  	_ =	shalt  }
0x74: {  	_ =	shalt  }
0x75: {  	_ =	shalt  }
0x76: {  	_ =	shalt  }
0x77: {  	_ =	shalt  }
0x78: {  	_ =	shalt  }
0x79: {  	_ =	shalt  }
0x7a: {  	_ =	shalt  }
0x7b: {  	_ =	shalt  }
0x7c: {  	_ =	shalt  }
0x7d: {  	_ =	shalt  }
0x7e: {  	_ =	shalt  }
0x7f: {  	_ =	shalt  }
0x80: {  	_ =	shalt  }
0x81: {  	_ =	shalt  }
0x82: {  	_ =	shalt  }
0x83: {  	_ =	shalt  }
0x84: {  	_ =	shalt  }
0x85: {  	_ =	shalt  }
0x86: {  	_ =	shalt  }
0x87: {  	_ =	shalt  }
.Lfunc_end0:
.L_simem_size_0:
called_computation.1_lowered:
.L_overlay_start_0:
0x88: {  	s2 =	sld [smem:$0x3FD9]  }
0x89: {  	s3 =	sld [smem:$0x3FFE];
	_ =	sdelay $0x1  }
0x8a: {  	s1 =	srdreg.scid  }
0x8b: {  	s0 =	sand.u32 $0x1, s1  }
0x8c: {  	s16 =	sshll.u32 s0, $0xA;
	s2 =	sadd.s32 s3, s2  }
0x8d: {  	s2 =	sadd.s32 s2, s16  }
0x8e: {  	[smem:$0x3F6D] =	sst s2  }
0x8f: {  	_ = 	snop  }
0x90: {  	(tm) =	ssettm $0x1  }
0x91: {  	s17 =	sld [smem:$0x3FFB];
	_ =	sdelay $0x3  }
0x92: {  	_ =	strace s17  }
0x93: {  	s2 =	sld [smem:$0x3FFC];
	_ =	sdelay $0x3  }
0x94: {  	_ =	strace s2  }
0x95: {  	s2 =	sld [smem:$0x3FFD];
	_ =	sdelay $0x3  }
0x96: {  	_ =	strace s2  }
0x97: {  	_ =	strace $0x8FFFFFFF  }
0x98: {  	s18 =	sld [smem:$0x3FDB];
	_ =	sdelay $0x1  }
0x99: {  	s19 =	simm.s32 $_scs_section_size  }
0x9a: {  	s4 =	simm.s32 $_size__tile_overlayer_lowered;
	s5 =	simm.s32 $_tile_overlayer_lowered  }
0x9b: {  	s22 =	simm.s32 $0x1BFF;
	s21 =	sshll.u32 s5, $0x1;
	s2 =	sadd.s32 s19, s18  }
0x9c: {  	s6 =	simm.s32 $0x0;
	s20 =	sshll.u32 s4, $0x1;
	s4 =	sadd.s32 s21, s2  }
0x9d: {  	[timem:s6], [sflag:s22] =	dma.local [hbm:s4], s20  }
0x9e: {  	_ =	swait.ge [sflag:s22], s20  }
0x9f: {  	s3 =	ssub.s32 $0x0, s20;
	[sflag:s22] =	ssyncset.done $0x0  }
0xa0: {  	[sflag:s22] =	ssyncadd.s32 s3;
	_ =	sdelay $0x1  }
0xa1: {  	s23 =	simm.s32 $0x1B8B  }
0xa2: {  	_ =	swait.ge [sflag:s23], $0x1  }
0xa3: {  	[sflag:s23] =	ssyncset.done $0x0  }
0xa4: {  	s25 =	simm.s32 $0x1B8E;
	s24 =	sld [smem:$0x3FFE];
	[sflag:s23] =	ssyncadd.s32 $0xFFFFFFFF  }
0xa5: {  	s26 =	simm.s32 $execute0_lowered;
	[smem:$0x3FD2] =	sst s25  }
0xa6: {  	s4 =	sshll.u32 s26, $0x1;
	_ =	strace $0x8000004C;
	[dreg:$0x1] =	wrdreg $0xFFFFFFFF  }
0xa7: {  	s28 =	simm.s32 $_size_execute0_lowered;
	s2 =	sadd.s32 s2, s4;
	[dreg:$0x0] =	wrdreg $0x0  }
0xa8: {  	s4 =	sshll.u32 s28, $0x1;
	[dreg:$0x2] =	wrdreg s2  }
0xa9: {  	[dreg:$0x3] =	wrdreg s4  }
0xaa: {  	[dreg:$0x4] =	wrdreg $0xC0  }
0xab: {  	_ =	task [dreg:s6], $0x5FFFF  }
0xac: {  	[dreg:$0x1] =	wrdreg $0xFFFFFFFF  }
0xad: {  	[dreg:$0x0] =	wrdreg $0x60  }
0xae: {  	[dreg:$0x2] =	wrdreg s24  }
0xaf: {  	[dreg:$0x3] =	wrdreg $0x9  }
0xb0: {  	_ =	task.clear_ibuf [dreg:s6], $0x4FFFF;
	_ =	strace $0x9000004C  }
0xb1: {  	s29 =	simm.s32 $0x9;
	_ =	strace $0x8000004E  }
0xb2: {  	_ =	swait.ge [sflag:s29], $0x1  }
0xb3: {  	[sflag:s29] =	ssyncadd.s32 $0xFFFFFFFF  }
0xb4: {  	_ =	strace $0x9000004E  }
0xb5: {  	_ =	sfence  }
0xb6: {  	s30 =	sld [smem:$0x0];
	_ =	sdelay $0x2  }
0xb7: {  	s31 =	sshll.u32 s1, $0xD;
	s1 =	sshrl.u32 s1, $0x2  }
0xb8: {  	s3 =	sand.u32 $0x4000, s31;
	s1 =	sadd.s32 s1, s30  }
0xb9: {  	s0 =	sor.u32 s3, s0;
	s1 =	sshll.u32 s1, $0x11  }
0xba: {  	s0 =	sor.u32 s1, s0  }
0xbb: {  	s0 =	sadd.s32 $0x8F2B, s0  }
0xbc: {  	[sflag:s0] =	ssyncadd.remote.s32 $0x1  }
0xbd: {  	_ =	sfence.sel $0xFFFF  }
0xbe: {  	[dreg:$0x0] =	wrdreg $0xFFFFFFFF;
	(pc) =	sbr.abs _section_cstart, $3  }
0xbf: {  	[dreg:$0x1] =	wrdreg $0xFFFFFFFF  }
0xc0: {  	_ =	task.clear_ibuf [dreg:s6], $0x2FFFF;
	_ =	strace $0x9FFFFFFF  }
0xc1: {  	(tm) =	ssettm $0x7FFFFFFF  }
tec
execute0_lowered:
.L_overlay_start_1:
0x0: {  	(tag) =	ssettag $0x1  }
0x1: {  	s7 =	rddreg [dreg:$0x0]  }
0x2: {  	s0 =	rddreg [dreg:$0x1];
	_ =	strace $0x8000004D  }
0x3: {  	s1 =	srdreg.scid;
	s4 =	simm.s32 $0x1;
	s9 =	simm.s32 $0x3  }
0x4: {  	s12 =	simm.s32 $0x0;
	s10 =	simm.s32 $0x0;
	s5 =	sshll.u32 s1, $0x4  }
.Ltmp0:
0x5: {  	s1 =	stileid.u32;
	s5 =	sand.u32 $0x10, s5;
	(pc) =	sbr.rel .LBB2_1-.Ltmp0, $4  }
0x6: {  	s2 =	sadd.s32 $0x80200, s7;
	s3 =	sadd.s32 $0xE2000, s7;
	s6 =	sor.u32 s1, s5  }
0x7: {  	[sflag:s4] =	ssyncpa.u1 $0x0;
	s5 =	simm.s32 $0x2;
	s6 =	sshll.u32 s6, $0x6  }
0x8: {  	s7 =	sadd.s32 $0xBCC00, s7;
	[sflag:s5] =	ssyncpa.u1 $0x0;
	s8 =	sadd.s32 $0x40, s6  }
0x9: {  	vm0 =	vmmov $0xff;
	vm1 =	vcmask $0x3F20;
	[sflag:s9] =	ssyncpa.u1 $0x0;
	s9 =	simm.s32 $0x40;
	s11 =	smov.u32 s6  }
.LBB2_9:
0xa: {  	p0 =	seq.s32 s10, $0x2  }
.Ltmp1:
0xb: {  	_ = 	snop;
	(pc) =	sbr.rel @p0 .LBB2_11-.Ltmp1, $1  }
0xc: {  	_ =	sdelay $0x3  }
.LBB2_10:
0xd: {  	s12 =	sadd.s32 $0x40, s11  }
0xe: {  	s13 =	smov.u32 s6;
	p0 =	slt.s32 s12, s8  }
0xf: {  	s13 =	smov.u32 @p0 s12  }
0x10: {  	s10 =	sadd.s32 $0x1, s10;
	s12 =	smov.u32 s11;
	s11 =	smov.u32 s13  }
.LBB2_1:
0x11: {  	p0 =	sne.s32 s10, $0x0  }
.Ltmp2:
0x12: {  	_ = 	snop;
	(pc) =	sbr.rel @!p0 .LBB2_2-.Ltmp2, $1  }
0x13: {  	_ =	sdelay $0x3  }
0x14: {  	s13 =	sand.u32 $0x1, s10  }
0x15: {  	p0 =	seq.s32 s13, $0x0  }
.Ltmp3:
0x16: {  	_ = 	snop;
	(pc) =	sbr.rel @p0 .LBB2_9-.Ltmp3, $1  }
0x17: {  	_ =	sdelay $0x3  }
0x18: {  	_ =	swait.ge [sflag:s5], $0x40  }
0x19: {  	[sflag:s5] =	ssyncset.done $0x0  }
0x1a: {  	s13 =	simm.s32 $0x0;
	[sflag:s5] =	ssyncadd.s32 $0xFFFFFFC0  }
0x1b: {  	v0 =	vld.msk [tilespmem:s13+$0x40 ss:$0x1], $0xffff;
	_ =	sdelay $0x4  }
0x1c: {  	v1 =	vshll.u32 v0, $0x4  }
0x1d: {  	vm2 =	veq.s32 v0, $0x80000000;
	v0 =	vshll.u32 v0, $0x11;
	v1 =	vand.u32 $0x1FF80, v1  }
0x1e: {  	v0 =	vand.u32 $0xE0000, v0;
	v1 =	vsel vm2, $0xFFFFFF80, v1  }
0x1f: {  	v0 =	vsel vm2, $0xFFFE0000, v0;
	v2 =	vand.u32 $0xFFFFFC00, v1  }
0x20: {  	v1 =	vand.u32 $0x380, v1;
	v0 =	vadd.s32 v0, v2  }
0x21: {  	v0 =	vor.u32 v1, v0  }
0x22: {  	v0 =	vshrl.u32 v0, $0x3;
	_ =	sdelay $0x3  }
0x23: {  	s13 =	simm.s32 $0x2080  }
0x24: {  	[tilespmem:s13], [sflag:$0x1] =	stream.indirect_vreg.gather [hbm:s2], $0x80, v0, vm0, $0x38;
	[tilespmem:$0x4080] =	vst v63  }
0x25: {  	s14 =	simm.s32 $0x2480;
	s31 =	simm.s32 $0x10  }
0x26: {  	[tilespmem:s14], [sflag:$0x1] =	stream.indirect_vreg.gather [hbm:s2], $0x80, v0, vm1, $0x38;
	[tilespmem:$0x4080] =	vst v63  }
0x27: {  	s14 =	simm.s32 $0x80;
	v0 =	vld.msk [tilespmem:s31+$0x40 ss:$0x1], $0xffff  }
.LBB2_5:
0x28: {  	p0 =	sne.s32 s14, $0xC0;
	_ =	sdelay $0x4  }
0x29: {  	v1 =	vshll.u32 v0, $0x4  }
0x2a: {  	vm2 =	veq.s32 v0, $0x80000000;
	v0 =	vshll.u32 v0, $0x11;
	v1 =	vand.u32 $0x1FF80, v1  }
0x2b: {  	v0 =	vand.u32 $0xE0000, v0;
	v1 =	vsel vm2, $0xFFFFFF80, v1  }
0x2c: {  	v0 =	vsel vm2, $0xFFFE0000, v0;
	v2 =	vand.u32 $0xFFFFFC00, v1  }
0x2d: {  	v1 =	vand.u32 $0x380, v1;
	v0 =	vadd.s32 v0, v2  }
0x2e: {  	v0 =	vor.u32 v1, v0  }
0x2f: {  	v0 =	vshrl.u32 v0, $0x3;
	_ =	sdelay $0x3  }
.Ltmp4:
0x30: {  	s13 =	sadd.s32 $0x800, s13;
	(pc) =	sbr.rel @p0 .LBB2_5-.Ltmp4, $4  }
0x31: {  	[tilespmem:s13], [sflag:$0x1] =	stream.indirect_vreg.gather [hbm:s2], $0x80, v0, vm0, $0x38;
	[tilespmem:$0x4080] =	vst v63  }
0x32: {  	s15 =	sshra.s32 s14, $0x2;
	s16 =	sadd.s32 $0x400, s13  }
0x33: {  	[tilespmem:s16], [sflag:$0x1] =	stream.indirect_vreg.gather [hbm:s2], $0x80, v0, vm1, $0x38;
	[tilespmem:$0x4080] =	vst v63  }
0x34: {  	s14 =	sadd.s32 $0x40, s14;
	v0 =	vld.msk [tilespmem:s15+$0x40 ss:$0x1], $0xffff  }
0x35: {  	_ =	sdelay $0x3  }
0x36: {  	v1 =	vshll.u32 v0, $0x4  }
0x37: {  	vm2 =	veq.s32 v0, $0x80000000;
	v63 =	vshll.u32 v0, $0x11;
	v1 =	vand.u32 $0x1FF80, v1  }
0x38: {  	v0 =	vand.u32 $0xE0000, v63;
	v1 =	vsel vm2, $0xFFFFFF80, v1  }
0x39: {  	v0 =	vsel vm2, $0xFFFE0000, v0;
	v2 =	vand.u32 $0xFFFFFC00, v1  }
0x3a: {  	v1 =	vand.u32 $0x380, v1;
	v0 =	vadd.s32 v0, v2  }
0x3b: {  	v0 =	vor.u32 v1, v0  }
0x3c: {  	v0 =	vshrl.u32 v0, $0x3;
	_ =	sdelay $0x3  }
0x3d: {  	s13 =	sadd.s32 $0x800, s13  }
0x3e: {  	[tilespmem:s13], [sflag:$0x1] =	stream.indirect_vreg.gather [hbm:s2], $0x80, v0, vm0, $0x38;
	[tilespmem:$0x4080] =	vst v63  }
0x3f: {  	s13 =	sadd.s32 $0x400, s13  }
0x40: {  	[tilespmem:s13], [sflag:$0x1] =	stream.indirect_vreg.gather [hbm:s2], $0x80, v0, vm1, $0x38;
	[tilespmem:$0x4080] =	vst v63  }
0x41: {  	s12 =	sshll.u32 s12, $0x4;
	s14 =	simm.s32 $0x80;
	_ =	swait.ge [sflag:s4], $0x2000  }
0x42: {  	s15 =	simm.s32 $0x2480;
	s12 =	sadd.s32 s12, s7;
	[sflag:s4] =	ssyncset.done $0x0  }
0x43: {  	s16 =	sadd.s32 $0x0, s12;
	s13 =	simm.s32 $0x2080;
	[sflag:s4] =	ssyncadd.s32 $0xFFFFE000  }
.LBB2_7:
0x44: {  	[hbm:s16] =	stream.linear.scatter [tilespmem:s13], [sflag:$0x3], $0x400, $0x38;
	[tilespmem:$0x4080] =	vst v63  }
0x45: {  	s16 =	smov.u32 s14;
	s13 =	smov.u32 s15;
	p0 =	sne.s32 s14, $0x380  }
.Ltmp5:
0x46: {  	s14 =	sadd.s32 $0x80, s14;
	(pc) =	sbr.rel @p0 .LBB2_7-.Ltmp5, $2  }
0x47: {  	_ =	sdelay $0x2  }
0x48: {  	s15 =	sadd.s32 $0x400, s15;
	s16 =	sadd.s32 s16, s12  }
.Ltmp6:
0x49: {  	(pc) =	sbr.rel .LBB2_9-.Ltmp6, $2  }
0x4a: {  	_ =	sdelay $0x2  }
0x4b: {  	[hbm:s16] =	stream.linear.scatter [tilespmem:s13], [sflag:$0x3], $0x400, $0x38;
	[tilespmem:$0x4080] =	vst v63  }
.LBB2_2:
.Ltmp7:
0x4c: {  	(pc) =	sbr.rel .LBB2_10-.Ltmp7, $4  }
0x4d: {  	_ = 	snop  }
0x4e: {  	s12 =	sshrl.u32 s11, $0x3  }
0x4f: {  	s13 =	sand.u32 $0x7, s11;
	s12 =	sadd.s32 s3, s12  }
0x50: {  	[tilespmem:s9], [sflag:$0x2] =	stream.linear.gather [hbm4b:s12+s13], $0x40, $0x38;
	[tilespmem:$0x4080] =	vst v63  }
.LBB2_11:
0x51: {  	s2 =	simm.s32 $0x3  }
0x52: {  	_ =	swait.ge [sflag:s2], $0x2000  }
0x53: {  	[sflag:s2] =	ssyncset.done $0x0  }
0x54: {  	[sflag:s2] =	ssyncadd.s32 $0xFFFFE000  }
0x55: {  	_ =	sfence.sel $0x180000  }
0x56: {  	s3 =	simm.s32 $0x2;
	[bflag:$0x0] =	sbarrier.arrive $0xFFFF  }
0x57: {  	[sflag:s3] =	ssyncpa.u1 $0x1  }
0x58: {  	s31 =	simm.s32 $0x1;
	[sflag:s2] =	ssyncpa.u1 $0x1  }
0x59: {  	[sflag:s31] =	ssyncpa.u1 $0x1  }
0x5a: {  	p0 =	sne.s32 s1, $0x0;
	_ =	strace $0x9000004D  }
0x5b: {  	s0 =	sadd.s32 @!p0 $0x100000, s0;
	[bflag:$0x2] =	sbarrier.arrive $0xFFFF  }
0x5c: {  	[sflag:s0] =	ssyncadd.tile.s32 @!p0 $0x1;
	_ =	shalt  }
.Lfunc_end2:
_tile_overlayer_lowered:
.L_overlay_start_2:
0x5d: {  	(tag) =	ssettag $0x2  }
0x5e: {  	s0 =	rddreg [dreg:$0x0];
	s2 =	stileid.u32  }
0x5f: {  	s1 =	rddreg [dreg:$0x1];
	p0 =	sne.s32 s2, $0x0  }
0x60: {  	s3 =	rddreg [dreg:$0x2];
	[bflag:$0x3] =	sbarrier.arrive $0xFFFF;
	s2 =	simm.s32 @!p0 $0x1C01  }
0x61: {  	[timem:s3], [sflag:s2] =	dma.local @!p0 [hbm:s0], s1  }
0x62: {  	s0 =	simm.s32 @!p0 $0x1  }
0x63: {  	_ =	swait.ge @!p0 [sflag:s0], s1  }
0x64: {  	s1 =	ssub.s32 @!p0 $0x0, s1;
	[sflag:s0] =	ssyncset.done @!p0 $0x0  }
0x65: {  	[sflag:s0] =	ssyncadd.s32 @!p0 s1  }
0x66: {  	[bflag:$0x3] =	sbarrier.arrive $0xFFFF  }
0x67: {  	_ =	shalt  }

// kernel: gather_offload_async_start.2
scs
__scs_entry_jumppad:
0x0: {  	(pc) =	sbr.rel $0x88, $3  }
0x1: {  	(tag) =	ssettag $0x0;
	lr =	simm.s32 $0x1  }
0x2: {  	[smem:$0x3F46] =	sst lr;
	_ =	strace $0xD0000000  }
0x3: {  	_ = 	snop  }
0x4: {  	_ = 	snop  }
0x5: {  	_ = 	snop  }
0x6: {  	_ = 	snop  }
0x7: {  	_ = 	snop  }
__scs_overlays_trampoline_lowered:
0x8: {  	[smem:$0x3F55] =	sst s0  }
0x9: {  	[smem:$0x3F56] =	sst s1  }
0xa: {  	[smem:$0x3F57] =	sst s2  }
0xb: {  	[smem:$0x3F58] =	sst s3  }
0xc: {  	[smem:$0x3F59] =	sst s4  }
0xd: {  	[smem:$0x3F5A] =	sst s5  }
0xe: {  	[smem:$0x3F5B] =	sst s6  }
0xf: {  	[smem:$0x3F5C] =	sst s7  }
0x10: {  	[smem:$0x3F5D] =	sst s8  }
0x11: {  	[smem:$0x3F5E] =	sst s9;
	s0 =	simm.s32 @!p0 $0x0  }
0x12: {  	s1 =	sld [smem:$0x3F44];
	s0 =	simm.s32 @p0 $0x1  }
0x13: {  	[smem:$0x3F5F] =	sst s0;
	s0 =	simm.s32 @!p1 $0x0  }
0x14: {  	s2 =	sld [smem:$0x3F43];
	s0 =	simm.s32 @p1 $0x1  }
0x15: {  	[smem:$0x3F60] =	sst s0;
	s0 =	simm.s32 @!p2 $0x0  }
0x16: {  	s3 =	sld [smem:$0x3FDB];
	s0 =	simm.s32 @p2 $0x1  }
0x17: {  	s4 =	simm.s32 $0x1BF5;
	[smem:$0x3F62] =	sst s0  }
0x18: {  	s0 =	sld [smem:$0x3F45];
	_ =	swait.ge [sflag:s4], $0x0  }
0x19: {  	s7 =	sld [smem:$0x3F46]  }
0x1a: {  	s8 =	sadd.s32 $0xFFFFE003, lr  }
0x1b: {  	s9 =	sadd.s32 $0xFFFFFEF7, lr;
	s5 =	simm.s32 $0xFFFFFFFF;
	p2 =	slt.u32 s8, $0xFFFFF086  }
0x1c: {  	p1 =	slt.u32 s9, $0xF7A;
	s5 =	simm.s32 @!p2 $0x0  }
0x1d: {  	s5 =	simm.s32 @p1 $0x1;
	p0 =	seq.s32 s7, s2  }
0x1e: {  	s7 =	smul.u32 @!p0 $0xF7A, s2;
	p2 =	seq.s32 @!p0 s5, $0x0  }
0x1f: {  	s9 =	smul.u32 $0xF7A, s1;
	s8 =	simm.s32 @!p0 $0x1BF5;
	p2 =	por !p2, p0  }
0x20: {  	[sflag:s8] =	ssyncset.s32 @!p0 $0xFFFFF086;
	s6 =	sadd.s32 @!p0 s3, s7;
	s7 =	simm.s32 @!p0 $0x108  }
0x21: {  	s3 =	sadd.s32 s3, s9;
	s6 =	sadd.s32 @!p0 $0x88, s6;
	s7 =	simm.s32 @p2 $0x1082  }
0x22: {  	[simem:s7], [sflag:s8] =	dma.local @!p0 [hbm:s6], $0xF7A  }
0x23: {  	s9 =	sor.u32 $0xD0000000, s2;
	s6 =	simm.s32 $0x108;
	_ =	swait.ge @!p0 [sflag:s8], $0x0  }
0x24: {  	s3 =	sadd.s32 $0x88, s3;
	s6 =	simm.s32 @!p1 $0x1082;
	[sflag:s4] =	ssyncset.s32 $0xFFFFF086  }
0x25: {  	[simem:s6], [sflag:s4] =	dma.local [hbm:s3], $0xF7A  }
0x26: {  	[smem:$0x3F46] =	sst s1;
	(tag) =	ssettag s2;
	_ =	strace s9  }
0x27: {  	s1 =	sld [smem:$0x3F56]  }
0x28: {  	s2 =	sld [smem:$0x3F57]  }
0x29: {  	s4 =	sld [smem:$0x3F59]  }
0x2a: {  	p0 =	seq.s32 s5, $0x0;
	s5 =	sld [smem:$0x3F5A]  }
0x2b: {  	s6 =	sld [smem:$0x3F5B]  }
0x2c: {  	s7 =	sld [smem:$0x3F5C]  }
0x2d: {  	s3 =	simm.s32 $0x108;
	s8 =	sld [smem:$0x3F5D]  }
0x2e: {  	s3 =	simm.s32 @!p0 $0x1082;
	s9 =	sld [smem:$0x3F5E]  }
0x2f: {  	lr =	sadd.s32 s0, s3;
	s0 =	sld [smem:$0x3F55]  }
0x30: {  	s3 =	sld [smem:$0x3F58]  }
0x31: {  	[smem:$0x3F61] =	sst s10  }
0x32: {  	s10 =	sld [smem:$0x3F5F];
	_ =	sdelay $0x3  }
0x33: {  	p0 =	seq.s32 s10, $0x1;
	s10 =	sld [smem:$0x3F61];
	_ =	sdelay $0x3  }
0x34: {  	[smem:$0x3F61] =	sst s10  }
0x35: {  	s10 =	sld [smem:$0x3F60];
	_ =	sdelay $0x3  }
0x36: {  	p1 =	seq.s32 s10, $0x1;
	s10 =	sld [smem:$0x3F61];
	_ =	sdelay $0x3  }
0x37: {  	[smem:$0x3F61] =	sst s10  }
0x38: {  	s10 =	sld [smem:$0x3F62]  }
0x39: {  	_ = 	snop;
	(pc) =	sbr.ind lr, $3  }
0x3a: {  	_ = 	snop  }
0x3b: {  	_ = 	snop  }
0x3c: {  	p2 =	seq.s32 s10, $0x1;
	s10 =	sld [smem:$0x3F61]  }
0x3d: {  	_ =	shalt  }
0x3e: {  	_ =	shalt  }
0x3f: {  	_ =	shalt  }
0x40: {  	_ =	shalt  }
0x41: {  	_ =	shalt  }
0x42: {  	_ =	shalt  }
0x43: {  	_ =	shalt  }
0x44: {  	_ =	shalt  }
0x45: {  	_ =	shalt  }
0x46: {  	_ =	shalt  }
0x47: {  	_ =	shalt  }
0x48: {  	_ =	shalt  }
0x49: {  	_ =	shalt  }
0x4a: {  	_ =	shalt  }
0x4b: {  	_ =	shalt  }
0x4c: {  	_ =	shalt  }
0x4d: {  	_ =	shalt  }
0x4e: {  	_ =	shalt  }
0x4f: {  	_ =	shalt  }
0x50: {  	_ =	shalt  }
0x51: {  	_ =	shalt  }
0x52: {  	_ =	shalt  }
0x53: {  	_ =	shalt  }
0x54: {  	_ =	shalt  }
0x55: {  	_ =	shalt  }
0x56: {  	_ =	shalt  }
0x57: {  	_ =	shalt  }
0x58: {  	_ =	shalt  }
0x59: {  	_ =	shalt  }
0x5a: {  	_ =	shalt  }
0x5b: {  	_ =	shalt  }
0x5c: {  	_ =	shalt  }
0x5d: {  	_ =	shalt  }
0x5e: {  	_ =	shalt  }
0x5f: {  	_ =	shalt  }
0x60: {  	_ =	shalt  }
0x61: {  	_ =	shalt  }
0x62: {  	_ =	shalt  }
0x63: {  	_ =	shalt  }
0x64: {  	_ =	shalt  }
0x65: {  	_ =	shalt  }
0x66: {  	_ =	shalt  }
0x67: {  	_ =	shalt  }
0x68: {  	_ =	shalt  }
0x69: {  	_ =	shalt  }
0x6a: {  	_ =	shalt  }
0x6b: {  	_ =	shalt  }
0x6c: {  	_ =	shalt  }
0x6d: {  	_ =	shalt  }
0x6e: {  	_ =	shalt  }
0x6f: {  	_ =	shalt  }
0x70: {  	_ =	shalt  }
0x71: {  	_ =	shalt  }
0x72: {  	_ =	shalt  }
0x73: {  	_ =	shalt  }
0x74: {  	_ =	shalt  }
0x75: {  	_ =	shalt  }
0x76: {  	_ =	shalt  }
0x77: {  	_ =	shalt  }
0x78: {  	_ =	shalt  }
0x79: {  	_ =	shalt  }
0x7a: {  	_ =	shalt  }
0x7b: {  	_ =	shalt  }
0x7c: {  	_ =	shalt  }
0x7d: {  	_ =	shalt  }
0x7e: {  	_ =	shalt  }
0x7f: {  	_ =	shalt  }
0x80: {  	_ =	shalt  }
0x81: {  	_ =	shalt  }
0x82: {  	_ =	shalt  }
0x83: {  	_ =	shalt  }
0x84: {  	_ =	shalt  }
0x85: {  	_ =	shalt  }
0x86: {  	_ =	shalt  }
0x87: {  	_ =	shalt  }
.Lfunc_end0:
.L_simem_size_0:
called_computation.2_lowered:
.L_overlay_start_0:
0x88: {  	s2 =	sld [smem:$0x3FD9]  }
0x89: {  	s3 =	sld [smem:$0x3FFE];
	_ =	sdelay $0x1  }
0x8a: {  	s1 =	srdreg.scid  }
0x8b: {  	s0 =	sand.u32 $0x1, s1  }
0x8c: {  	s16 =	sshll.u32 s0, $0xA;
	s2 =	sadd.s32 s3, s2  }
0x8d: {  	s2 =	sadd.s32 s2, s16  }
0x8e: {  	[smem:$0x3F6D] =	sst s2  }
0x8f: {  	_ = 	snop  }
0x90: {  	(tm) =	ssettm $0x1  }
0x91: {  	s17 =	sld [smem:$0x3FFB];
	_ =	sdelay $0x3  }
0x92: {  	_ =	strace s17  }
0x93: {  	s2 =	sld [smem:$0x3FFC];
	_ =	sdelay $0x3  }
0x94: {  	_ =	strace s2  }
0x95: {  	s2 =	sld [smem:$0x3FFD];
	_ =	sdelay $0x3  }
0x96: {  	_ =	strace s2  }
0x97: {  	_ =	strace $0x8FFFFFFF  }
0x98: {  	s18 =	sld [smem:$0x3FDB];
	_ =	sdelay $0x1  }
0x99: {  	s19 =	simm.s32 $_scs_section_size  }
0x9a: {  	s4 =	simm.s32 $_size__tile_overlayer_lowered;
	s5 =	simm.s32 $_tile_overlayer_lowered  }
0x9b: {  	s22 =	simm.s32 $0x1BFF;
	s21 =	sshll.u32 s5, $0x1;
	s2 =	sadd.s32 s19, s18  }
0x9c: {  	s6 =	simm.s32 $0x0;
	s20 =	sshll.u32 s4, $0x1;
	s4 =	sadd.s32 s21, s2  }
0x9d: {  	[timem:s6], [sflag:s22] =	dma.local [hbm:s4], s20  }
0x9e: {  	_ =	swait.ge [sflag:s22], s20  }
0x9f: {  	s3 =	ssub.s32 $0x0, s20;
	[sflag:s22] =	ssyncset.done $0x0  }
0xa0: {  	[sflag:s22] =	ssyncadd.s32 s3;
	_ =	sdelay $0x1  }
0xa1: {  	s23 =	simm.s32 $0x1B8B  }
0xa2: {  	_ =	swait.ge [sflag:s23], $0x1  }
0xa3: {  	[sflag:s23] =	ssyncset.done $0x0  }
0xa4: {  	s25 =	simm.s32 $0x1B8E;
	s24 =	sld [smem:$0x3FFE];
	[sflag:s23] =	ssyncadd.s32 $0xFFFFFFFF  }
0xa5: {  	s26 =	simm.s32 $execute0_lowered;
	[smem:$0x3FD2] =	sst s25  }
0xa6: {  	s4 =	sshll.u32 s26, $0x1;
	_ =	strace $0x80000052;
	[dreg:$0x1] =	wrdreg $0xFFFFFFFF  }
0xa7: {  	s28 =	simm.s32 $_size_execute0_lowered;
	s2 =	sadd.s32 s2, s4;
	[dreg:$0x0] =	wrdreg $0x0  }
0xa8: {  	s4 =	sshll.u32 s28, $0x1;
	[dreg:$0x2] =	wrdreg s2  }
0xa9: {  	[dreg:$0x3] =	wrdreg s4  }
0xaa: {  	[dreg:$0x4] =	wrdreg $0xC0  }
0xab: {  	_ =	task [dreg:s6], $0x5FFFF  }
0xac: {  	[dreg:$0x1] =	wrdreg $0xFFFFFFFF  }
0xad: {  	[dreg:$0x0] =	wrdreg $0x60  }
0xae: {  	[dreg:$0x2] =	wrdreg s24  }
0xaf: {  	[dreg:$0x3] =	wrdreg $0x9  }
0xb0: {  	_ =	task.clear_ibuf [dreg:s6], $0x4FFFF;
	_ =	strace $0x90000052  }
0xb1: {  	s29 =	simm.s32 $0x9;
	_ =	strace $0x80000054  }
0xb2: {  	_ =	swait.ge [sflag:s29], $0x1  }
0xb3: {  	[sflag:s29] =	ssyncadd.s32 $0xFFFFFFFF  }
0xb4: {  	_ =	strace $0x90000054  }
0xb5: {  	_ =	sfence  }
0xb6: {  	s30 =	sld [smem:$0x0];
	_ =	sdelay $0x2  }
0xb7: {  	s31 =	sshll.u32 s1, $0xD;
	s1 =	sshrl.u32 s1, $0x2  }
0xb8: {  	s3 =	sand.u32 $0x4000, s31;
	s1 =	sadd.s32 s1, s30  }
0xb9: {  	s0 =	sor.u32 s3, s0;
	s1 =	sshll.u32 s1, $0x11  }
0xba: {  	s0 =	sor.u32 s1, s0  }
0xbb: {  	s0 =	sadd.s32 $0x8F2B, s0  }
0xbc: {  	[sflag:s0] =	ssyncadd.remote.s32 $0x1  }
0xbd: {  	_ =	sfence.sel $0xFFFF  }
0xbe: {  	[dreg:$0x0] =	wrdreg $0xFFFFFFFF;
	(pc) =	sbr.abs _section_cstart, $3  }
0xbf: {  	[dreg:$0x1] =	wrdreg $0xFFFFFFFF  }
0xc0: {  	_ =	task.clear_ibuf [dreg:s6], $0x2FFFF;
	_ =	strace $0x9FFFFFFF  }
0xc1: {  	(tm) =	ssettm $0x7FFFFFFF  }
tec
execute0_lowered:
.L_overlay_start_1:
0x0: {  	(tag) =	ssettag $0x1  }
0x1: {  	s1 =	srdreg.scid  }
0x2: {  	s0 =	stileid.u32;
	s8 =	rddreg [dreg:$0x0];
	s5 =	simm.s32 $0x1  }
0x3: {  	s9 =	simm.s32 $0x1;
	s10 =	simm.s32 $0x3;
	s1 =	sshll.u32 s1, $0x5  }
0x4: {  	s13 =	simm.s32 $0x0;
	s2 =	sshll.u32 s0, $0x6;
	s3 =	sand.u32 $0x20, s1  }
0x5: {  	s12 =	simm.s32 $0x0;
	s4 =	sadd.s32 $0xA1800, s8;
	s2 =	sor.u32 s2, s3  }
0x6: {  	s1 =	rddreg [dreg:$0x1];
	_ =	strace $0x80000053;
	s7 =	ssub.s32 $0x600, s2  }
.Ltmp0:
0x7: {  	s3 =	sadd.s32 $0xA0200, s8;
	s6 =	sand.u32 $0x3E0, s7;
	(pc) =	sbr.rel .LBB2_1-.Ltmp0, $4  }
0x8: {  	[sflag:s5] =	ssyncpa.u1 $0x0;
	s8 =	sadd.s32 $0xA1200, s8;
	p0 =	sne.s32 s6, $0x0  }
0x9: {  	s7 =	sshrl.u32 s7, $0xA;
	s6 =	simm.s32 $0x2;
	s9 =	simm.s32 @!p0 $0x0  }
0xa: {  	s11 =	smov.u32 s2;
	[sflag:s6] =	ssyncpa.u1 $0x0;
	s7 =	sadd.s32 s9, s7  }
0xb: {  	vm0 =	vmmov $0xffff;
	[sflag:s10] =	ssyncpa.u1 $0x0;
	s10 =	simm.s32 $0x0;
	s9 =	sadd.s32 $0x1, s7  }
.LBB2_5:
0xc: {  	s15 =	sadd.s32 $0x400, s11  }
0xd: {  	p1 =	sgt.s32 s15, $0x5FF  }
0xe: {  	s15 =	smov.u32 @p1 s2;
	p1 =	sne.s32 s12, s9  }
.Ltmp1:
0xf: {  	p0 =	slt.u32 s12, $0x2;
	(pc) =	sbr.rel @!p1 .LBB2_6-.Ltmp1, $4  }
0x10: {  	s14 =	simm.s32 @!p0 $0x3  }
0x11: {  	_ =	swait.ge @!p0 [sflag:s14], $0x20  }
0x12: {  	s16 =	sadd.s32 $0x1, s12;
	s13 =	smov.u32 s11;
	[sflag:s14] =	ssyncset.done @!p0 $0x0  }
0x13: {  	s12 =	smov.u32 s16;
	s11 =	smov.u32 s15;
	[sflag:s14] =	ssyncadd.s32 @!p0 $0xFFFFFFE0  }
.LBB2_1:
0x14: {  	p0 =	sge.u32 s12, s7  }
0x15: {  	s14 =	sxor.u32 @!p0 $0xFFFFFFFF, s12  }
0x16: {  	s31 =	sadd.s32 $0xFFFFFFFF, s12;
	s15 =	sshrl.u32 @!p0 s11, $0x3;
	s14 =	sshll.u32 @!p0 s14, $0x5  }
0x17: {  	s16 =	sand.u32 @!p0 $0x7, s11;
	s15 =	sadd.s32 @!p0 s4, s15;
	s14 =	sand.u32 @!p0 $0x20, s14  }
0x18: {  	[tilespmem:s14], [sflag:$0x2] =	stream.linear.gather @!p0 [hbm4b:s15+s16], $0x20, $0x38;
	[tilespmem:$0x80] =	vst v63  }
0x19: {  	p0 =	sge.u32 s31, s7  }
.Ltmp2:
0x1a: {  	_ = 	snop;
	(pc) =	sbr.rel @p0 .LBB2_5-.Ltmp2, $1  }
0x1b: {  	_ =	sdelay $0x3  }
0x1c: {  	_ =	swait.ge [sflag:s6], $0x20;
	s14 =	sshll.u32 s12, $0x5;
	s16 =	simm.s32 $0x0  }
0x1d: {  	p0 =	por $0x1, $0x1;
	[sflag:s6] =	ssyncset.done $0x0;
	s15 =	sand.u32 $0x20, s14  }
0x1e: {  	[sflag:s6] =	ssyncadd.s32 $0xFFFFFFE0;
	(ifvalue) =	ssetifvalue $0x7FFFFFFF;
	s14 =	sor.u32 $0x40, s15  }
.LBB2_3:
0x1f: {  	s17 =	sadd.s32 s16, s15  }
0x20: {  	v0 =	vld.msk [tilespmem:s17+$0x0 ss:$0x1], $0xffff;
	_ =	sdelay $0x4  }
0x21: {  	vm1 =	veq.s32 v0, $0x80000000;
	v1 =	vshrl.u32 v0, $0x2  }
0x22: {  	v2 =	vshrl.u32 v0, $0x3;
	v0 =	vshll.u32 v0, $0xB;
	v1 =	vand.u32 $0x780, v1  }
0x23: {  	v2 =	vand.u32 $0x3F, v2;
	v0 =	vand.u32 $0x3800, v0;
	v1 =	vsel vm1, $0xFFFFFF80, v1  }
0x24: {  	v2 =	vsel vm1, $0xFFFFFFFF, v2;
	v0 =	vsel vm1, $0xFFFFF800, v0;
	v3 =	vand.u32 $0xFFFFFC00, v1  }
0x25: {  	v63 =	vand.u32 $0xFFFFFC00, v2;
	v0 =	vadd.s32 v0, v3  }
0x26: {  	v1 =	vand.u32 $0x380, v1;
	v0 =	vadd.s32 v63, v0  }
0x27: {  	v2 =	vand.u32 $0x7F, v2;
	v0 =	vor.u32 v1, v0  }
0x28: {  	p1 =	por p0, p0;
	v0 =	vor.u32 v2, v0  }
.Ltmp3:
0x29: {  	_ = 	snop;
	(pc) =	sbr.rel @p1 .LBB2_3-.Ltmp3, $4  }
0x2a: {  	_ = 	snop  }
0x2b: {  	s31 =	sadd.s32 s16, s14  }
0x2c: {  	s16 =	simm.s32 $0x10;
	p0 =	por $0x0, $0x0;
	(ifvalue) =	ssetifvalue $0x7FFFFFFF  }
0x2d: {  	[tilespmem:s31], [sflag:$0x1] =	stream.indirect_vreg.gather [hbm4b:s3+s10], $0x1, v0, vm0, $0x4038;
	[tilespmem:$0x80] =	vst v63  }
.Ltmp4:
0x2e: {  	(pc) =	sbr.rel .LBB2_5-.Ltmp4, $4  }
0x2f: {  	_ =	swait.ge [sflag:s5], $0x20  }
0x30: {  	s15 =	sshrl.u32 s13, $0x3;
	[sflag:s5] =	ssyncset.done $0x0  }
0x31: {  	s31 =	sand.u32 $0x7, s13;
	s15 =	sadd.s32 s8, s15;
	[sflag:s5] =	ssyncadd.s32 $0xFFFFFFE0  }
0x32: {  	[hbm4b:s15+s31] =	stream.linear.scatter [tilespmem:s14], [sflag:$0x3], $0x20, $0x38;
	[tilespmem:$0x80] =	vst v63  }
.LBB2_6:
0x33: {  	_ =	sfence.sel $0x180000  }
0x34: {  	s2 =	simm.s32 $0x2;
	[bflag:$0x0] =	sbarrier.arrive $0xFFFF  }
0x35: {  	s30 =	simm.s32 $0x3;
	[sflag:s2] =	ssyncpa.u1 $0x1  }
0x36: {  	s31 =	simm.s32 $0x1;
	[sflag:s30] =	ssyncpa.u1 $0x1  }
0x37: {  	[sflag:s31] =	ssyncpa.u1 $0x1  }
0x38: {  	p0 =	sne.s32 s0, $0x0;
	_ =	strace $0x90000053  }
0x39: {  	s0 =	sadd.s32 @!p0 $0x100000, s1;
	[bflag:$0x2] =	sbarrier.arrive $0xFFFF  }
0x3a: {  	[sflag:s0] =	ssyncadd.tile.s32 @!p0 $0x1;
	_ =	shalt  }
.Lfunc_end2:
_tile_overlayer_lowered:
.L_overlay_start_2:
0x3b: {  	(tag) =	ssettag $0x2  }
0x3c: {  	s0 =	rddreg [dreg:$0x0];
	s2 =	stileid.u32  }
0x3d: {  	s1 =	rddreg [dreg:$0x1];
	p0 =	sne.s32 s2, $0x0  }
0x3e: {  	s3 =	rddreg [dreg:$0x2];
	[bflag:$0x3] =	sbarrier.arrive $0xFFFF;
	s2 =	simm.s32 @!p0 $0x1C01  }
0x3f: {  	[timem:s3], [sflag:s2] =	dma.local @!p0 [hbm:s0], s1  }
0x40: {  	s0 =	simm.s32 @!p0 $0x1  }
0x41: {  	_ =	swait.ge @!p0 [sflag:s0], s1  }
0x42: {  	s1 =	ssub.s32 @!p0 $0x0, s1;
	[sflag:s0] =	ssyncset.done @!p0 $0x0  }
0x43: {  	[sflag:s0] =	ssyncadd.s32 @!p0 s1  }
0x44: {  	[bflag:$0x3] =	sbarrier.arrive $0xFFFF  }
0x45: {  	_ =	shalt  }

// kernel: gather_offload_async_start.3
scs
__scs_entry_jumppad:
0x0: {  	(pc) =	sbr.rel $0x88, $3  }
0x1: {  	(tag) =	ssettag $0x0;
	lr =	simm.s32 $0x1  }
0x2: {  	[smem:$0x3F46] =	sst lr;
	_ =	strace $0xD0000000  }
0x3: {  	_ = 	snop  }
0x4: {  	_ = 	snop  }
0x5: {  	_ = 	snop  }
0x6: {  	_ = 	snop  }
0x7: {  	_ = 	snop  }
__scs_overlays_trampoline_lowered:
0x8: {  	[smem:$0x3F55] =	sst s0  }
0x9: {  	[smem:$0x3F56] =	sst s1  }
0xa: {  	[smem:$0x3F57] =	sst s2  }
0xb: {  	[smem:$0x3F58] =	sst s3  }
0xc: {  	[smem:$0x3F59] =	sst s4  }
0xd: {  	[smem:$0x3F5A] =	sst s5  }
0xe: {  	[smem:$0x3F5B] =	sst s6  }
0xf: {  	[smem:$0x3F5C] =	sst s7  }
0x10: {  	[smem:$0x3F5D] =	sst s8  }
0x11: {  	[smem:$0x3F5E] =	sst s9;
	s0 =	simm.s32 @!p0 $0x0  }
0x12: {  	s1 =	sld [smem:$0x3F44];
	s0 =	simm.s32 @p0 $0x1  }
0x13: {  	[smem:$0x3F5F] =	sst s0;
	s0 =	simm.s32 @!p1 $0x0  }
0x14: {  	s2 =	sld [smem:$0x3F43];
	s0 =	simm.s32 @p1 $0x1  }
0x15: {  	[smem:$0x3F60] =	sst s0;
	s0 =	simm.s32 @!p2 $0x0  }
0x16: {  	s3 =	sld [smem:$0x3FDB];
	s0 =	simm.s32 @p2 $0x1  }
0x17: {  	s4 =	simm.s32 $0x1BF5;
	[smem:$0x3F62] =	sst s0  }
0x18: {  	s0 =	sld [smem:$0x3F45];
	_ =	swait.ge [sflag:s4], $0x0  }
0x19: {  	s7 =	sld [smem:$0x3F46]  }
0x1a: {  	s8 =	sadd.s32 $0xFFFFE003, lr  }
0x1b: {  	s9 =	sadd.s32 $0xFFFFFEF7, lr;
	s5 =	simm.s32 $0xFFFFFFFF;
	p2 =	slt.u32 s8, $0xFFFFF086  }
0x1c: {  	p1 =	slt.u32 s9, $0xF7A;
	s5 =	simm.s32 @!p2 $0x0  }
0x1d: {  	s5 =	simm.s32 @p1 $0x1;
	p0 =	seq.s32 s7, s2  }
0x1e: {  	s7 =	smul.u32 @!p0 $0xF7A, s2;
	p2 =	seq.s32 @!p0 s5, $0x0  }
0x1f: {  	s9 =	smul.u32 $0xF7A, s1;
	s8 =	simm.s32 @!p0 $0x1BF5;
	p2 =	por !p2, p0  }
0x20: {  	[sflag:s8] =	ssyncset.s32 @!p0 $0xFFFFF086;
	s6 =	sadd.s32 @!p0 s3, s7;
	s7 =	simm.s32 @!p0 $0x108  }
0x21: {  	s3 =	sadd.s32 s3, s9;
	s6 =	sadd.s32 @!p0 $0x88, s6;
	s7 =	simm.s32 @p2 $0x1082  }
0x22: {  	[simem:s7], [sflag:s8] =	dma.local @!p0 [hbm:s6], $0xF7A  }
0x23: {  	s9 =	sor.u32 $0xD0000000, s2;
	s6 =	simm.s32 $0x108;
	_ =	swait.ge @!p0 [sflag:s8], $0x0  }
0x24: {  	s3 =	sadd.s32 $0x88, s3;
	s6 =	simm.s32 @!p1 $0x1082;
	[sflag:s4] =	ssyncset.s32 $0xFFFFF086  }
0x25: {  	[simem:s6], [sflag:s4] =	dma.local [hbm:s3], $0xF7A  }
0x26: {  	[smem:$0x3F46] =	sst s1;
	(tag) =	ssettag s2;
	_ =	strace s9  }
0x27: {  	s1 =	sld [smem:$0x3F56]  }
0x28: {  	s2 =	sld [smem:$0x3F57]  }
0x29: {  	s4 =	sld [smem:$0x3F59]  }
0x2a: {  	p0 =	seq.s32 s5, $0x0;
	s5 =	sld [smem:$0x3F5A]  }
0x2b: {  	s6 =	sld [smem:$0x3F5B]  }
0x2c: {  	s7 =	sld [smem:$0x3F5C]  }
0x2d: {  	s3 =	simm.s32 $0x108;
	s8 =	sld [smem:$0x3F5D]  }
0x2e: {  	s3 =	simm.s32 @!p0 $0x1082;
	s9 =	sld [smem:$0x3F5E]  }
0x2f: {  	lr =	sadd.s32 s0, s3;
	s0 =	sld [smem:$0x3F55]  }
0x30: {  	s3 =	sld [smem:$0x3F58]  }
0x31: {  	[smem:$0x3F61] =	sst s10  }
0x32: {  	s10 =	sld [smem:$0x3F5F];
	_ =	sdelay $0x3  }
0x33: {  	p0 =	seq.s32 s10, $0x1;
	s10 =	sld [smem:$0x3F61];
	_ =	sdelay $0x3  }
0x34: {  	[smem:$0x3F61] =	sst s10  }
0x35: {  	s10 =	sld [smem:$0x3F60];
	_ =	sdelay $0x3  }
0x36: {  	p1 =	seq.s32 s10, $0x1;
	s10 =	sld [smem:$0x3F61];
	_ =	sdelay $0x3  }
0x37: {  	[smem:$0x3F61] =	sst s10  }
0x38: {  	s10 =	sld [smem:$0x3F62]  }
0x39: {  	_ = 	snop;
	(pc) =	sbr.ind lr, $3  }
0x3a: {  	_ = 	snop  }
0x3b: {  	_ = 	snop  }
0x3c: {  	p2 =	seq.s32 s10, $0x1;
	s10 =	sld [smem:$0x3F61]  }
0x3d: {  	_ =	shalt  }
0x3e: {  	_ =	shalt  }
0x3f: {  	_ =	shalt  }
0x40: {  	_ =	shalt  }
0x41: {  	_ =	shalt  }
0x42: {  	_ =	shalt  }
0x43: {  	_ =	shalt  }
0x44: {  	_ =	shalt  }
0x45: {  	_ =	shalt  }
0x46: {  	_ =	shalt  }
0x47: {  	_ =	shalt  }
0x48: {  	_ =	shalt  }
0x49: {  	_ =	shalt  }
0x4a: {  	_ =	shalt  }
0x4b: {  	_ =	shalt  }
0x4c: {  	_ =	shalt  }
0x4d: {  	_ =	shalt  }
0x4e: {  	_ =	shalt  }
0x4f: {  	_ =	shalt  }
0x50: {  	_ =	shalt  }
0x51: {  	_ =	shalt  }
0x52: {  	_ =	shalt  }
0x53: {  	_ =	shalt  }
0x54: {  	_ =	shalt  }
0x55: {  	_ =	shalt  }
0x56: {  	_ =	shalt  }
0x57: {  	_ =	shalt  }
0x58: {  	_ =	shalt  }
0x59: {  	_ =	shalt  }
0x5a: {  	_ =	shalt  }
0x5b: {  	_ =	shalt  }
0x5c: {  	_ =	shalt  }
0x5d: {  	_ =	shalt  }
0x5e: {  	_ =	shalt  }
0x5f: {  	_ =	shalt  }
0x60: {  	_ =	shalt  }
0x61: {  	_ =	shalt  }
0x62: {  	_ =	shalt  }
0x63: {  	_ =	shalt  }
0x64: {  	_ =	shalt  }
0x65: {  	_ =	shalt  }
0x66: {  	_ =	shalt  }
0x67: {  	_ =	shalt  }
0x68: {  	_ =	shalt  }
0x69: {  	_ =	shalt  }
0x6a: {  	_ =	shalt  }
0x6b: {  	_ =	shalt  }
0x6c: {  	_ =	shalt  }
0x6d: {  	_ =	shalt  }
0x6e: {  	_ =	shalt  }
0x6f: {  	_ =	shalt  }
0x70: {  	_ =	shalt  }
0x71: {  	_ =	shalt  }
0x72: {  	_ =	shalt  }
0x73: {  	_ =	shalt  }
0x74: {  	_ =	shalt  }
0x75: {  	_ =	shalt  }
0x76: {  	_ =	shalt  }
0x77: {  	_ =	shalt  }
0x78: {  	_ =	shalt  }
0x79: {  	_ =	shalt  }
0x7a: {  	_ =	shalt  }
0x7b: {  	_ =	shalt  }
0x7c: {  	_ =	shalt  }
0x7d: {  	_ =	shalt  }
0x7e: {  	_ =	shalt  }
0x7f: {  	_ =	shalt  }
0x80: {  	_ =	shalt  }
0x81: {  	_ =	shalt  }
0x82: {  	_ =	shalt  }
0x83: {  	_ =	shalt  }
0x84: {  	_ =	shalt  }
0x85: {  	_ =	shalt  }
0x86: {  	_ =	shalt  }
0x87: {  	_ =	shalt  }
.Lfunc_end0:
.L_simem_size_0:
called_computation.3_lowered:
.L_overlay_start_0:
0x88: {  	s2 =	sld [smem:$0x3FD9]  }
0x89: {  	s3 =	sld [smem:$0x3FFE];
	_ =	sdelay $0x1  }
0x8a: {  	s1 =	srdreg.scid  }
0x8b: {  	s0 =	sand.u32 $0x1, s1  }
0x8c: {  	s16 =	sshll.u32 s0, $0xA;
	s2 =	sadd.s32 s3, s2  }
0x8d: {  	s2 =	sadd.s32 s2, s16  }
0x8e: {  	[smem:$0x3F6D] =	sst s2  }
0x8f: {  	_ = 	snop  }
0x90: {  	(tm) =	ssettm $0x1  }
0x91: {  	s17 =	sld [smem:$0x3FFB];
	_ =	sdelay $0x3  }
0x92: {  	_ =	strace s17  }
0x93: {  	s2 =	sld [smem:$0x3FFC];
	_ =	sdelay $0x3  }
0x94: {  	_ =	strace s2  }
0x95: {  	s2 =	sld [smem:$0x3FFD];
	_ =	sdelay $0x3  }
0x96: {  	_ =	strace s2  }
0x97: {  	_ =	strace $0x8FFFFFFF  }
0x98: {  	s18 =	sld [smem:$0x3FDB];
	_ =	sdelay $0x1  }
0x99: {  	s19 =	simm.s32 $_scs_section_size  }
0x9a: {  	s4 =	simm.s32 $_size__tile_overlayer_lowered;
	s5 =	simm.s32 $_tile_overlayer_lowered  }
0x9b: {  	s22 =	simm.s32 $0x1BFF;
	s21 =	sshll.u32 s5, $0x1;
	s2 =	sadd.s32 s19, s18  }
0x9c: {  	s6 =	simm.s32 $0x0;
	s20 =	sshll.u32 s4, $0x1;
	s4 =	sadd.s32 s21, s2  }
0x9d: {  	[timem:s6], [sflag:s22] =	dma.local [hbm:s4], s20  }
0x9e: {  	_ =	swait.ge [sflag:s22], s20  }
0x9f: {  	s3 =	ssub.s32 $0x0, s20;
	[sflag:s22] =	ssyncset.done $0x0  }
0xa0: {  	[sflag:s22] =	ssyncadd.s32 s3;
	_ =	sdelay $0x1  }
0xa1: {  	s23 =	simm.s32 $0x1B8B  }
0xa2: {  	_ =	swait.ge [sflag:s23], $0x1  }
0xa3: {  	[sflag:s23] =	ssyncset.done $0x0  }
0xa4: {  	s25 =	simm.s32 $0x1B8E;
	s24 =	sld [smem:$0x3FFE];
	[sflag:s23] =	ssyncadd.s32 $0xFFFFFFFF  }
0xa5: {  	s26 =	simm.s32 $execute0_lowered;
	[smem:$0x3FD2] =	sst s25  }
0xa6: {  	s4 =	sshll.u32 s26, $0x1;
	_ =	strace $0x8000004F;
	[dreg:$0x1] =	wrdreg $0xFFFFFFFF  }
0xa7: {  	s28 =	simm.s32 $_size_execute0_lowered;
	s2 =	sadd.s32 s2, s4;
	[dreg:$0x0] =	wrdreg $0x0  }
0xa8: {  	s4 =	sshll.u32 s28, $0x1;
	[dreg:$0x2] =	wrdreg s2  }
0xa9: {  	[dreg:$0x3] =	wrdreg s4  }
0xaa: {  	[dreg:$0x4] =	wrdreg $0xC0  }
0xab: {  	_ =	task [dreg:s6], $0x5FFFF  }
0xac: {  	[dreg:$0x1] =	wrdreg $0xFFFFFFFF  }
0xad: {  	[dreg:$0x0] =	wrdreg $0x60  }
0xae: {  	[dreg:$0x2] =	wrdreg s24  }
0xaf: {  	[dreg:$0x3] =	wrdreg $0x9  }
0xb0: {  	_ =	task.clear_ibuf [dreg:s6], $0x4FFFF;
	_ =	strace $0x9000004F  }
0xb1: {  	s29 =	simm.s32 $0x9;
	_ =	strace $0x80000051  }
0xb2: {  	_ =	swait.ge [sflag:s29], $0x1  }
0xb3: {  	[sflag:s29] =	ssyncadd.s32 $0xFFFFFFFF  }
0xb4: {  	_ =	strace $0x90000051  }
0xb5: {  	_ =	sfence  }
0xb6: {  	s30 =	sld [smem:$0x0];
	_ =	sdelay $0x2  }
0xb7: {  	s31 =	sshll.u32 s1, $0xD;
	s1 =	sshrl.u32 s1, $0x2  }
0xb8: {  	s3 =	sand.u32 $0x4000, s31;
	s1 =	sadd.s32 s1, s30  }
0xb9: {  	s0 =	sor.u32 s3, s0;
	s1 =	sshll.u32 s1, $0x11  }
0xba: {  	s0 =	sor.u32 s1, s0  }
0xbb: {  	s0 =	sadd.s32 $0x8F2B, s0  }
0xbc: {  	[sflag:s0] =	ssyncadd.remote.s32 $0x1  }
0xbd: {  	_ =	sfence.sel $0xFFFF  }
0xbe: {  	[dreg:$0x0] =	wrdreg $0xFFFFFFFF;
	(pc) =	sbr.abs _section_cstart, $3  }
0xbf: {  	[dreg:$0x1] =	wrdreg $0xFFFFFFFF  }
0xc0: {  	_ =	task.clear_ibuf [dreg:s6], $0x2FFFF;
	_ =	strace $0x9FFFFFFF  }
0xc1: {  	(tm) =	ssettm $0x7FFFFFFF  }
tec
execute0_lowered:
.L_overlay_start_1:
0x0: {  	(tag) =	ssettag $0x1  }
0x1: {  	s0 =	srdreg.scid;
	s5 =	rddreg [dreg:$0x0]  }
0x2: {  	s1 =	stileid.u32;
	s6 =	simm.s32 $0x1;
	s9 =	simm.s32 $0x1  }
0x3: {  	s10 =	simm.s32 $0x3;
	s13 =	simm.s32 $0x0;
	s2 =	sshll.u32 s0, $0x7  }
0x4: {  	s12 =	simm.s32 $0x0;
	s3 =	sshll.u32 s1, $0x8;
	s2 =	sand.u32 $0x80, s2  }
0x5: {  	s0 =	rddreg [dreg:$0x1];
	_ =	strace $0x80000050;
	s2 =	sor.u32 s3, s2  }
0x6: {  	s4 =	sadd.s32 $0xA1200, s5;
	[sflag:s6] =	ssyncpa.u1 $0x0;
	s8 =	ssub.s32 $0x1800, s2  }
.Ltmp0:
0x7: {  	s3 =	sadd.s32 $0x80200, s5;
	s7 =	sand.u32 $0xF80, s8;
	(pc) =	sbr.rel .LBB2_1-.Ltmp0, $4  }
0x8: {  	s5 =	sadd.s32 $0xA0E00, s5;
	s11 =	smov.u32 s2;
	p0 =	sne.s32 s7, $0x0  }
0x9: {  	s8 =	sshrl.u32 s8, $0xC;
	s7 =	simm.s32 $0x2;
	s9 =	simm.s32 @!p0 $0x0  }
0xa: {  	[sflag:s7] =	ssyncpa.u1 $0x0;
	p0 =	por $0x0, $0x0;
	s8 =	sadd.s32 s9, s8  }
0xb: {  	vm0 =	vmmov $0xffff;
	[sflag:s10] =	ssyncpa.u1 $0x0;
	s10 =	simm.s32 $0x0;
	s9 =	sadd.s32 $0x1, s8  }
.LBB2_4:
0xc: {  	v3 =	vshrl.u32 v0, $0x3;
	v4 =	vshrl.u32 v0, $0xB;
	v1 =	vor.u32 v1, v2  }
0xd: {  	v62 =	vshll.u32 v0, $0xE;
	v60 =	vand.u32 $0xFF, v3;
	v61 =	vand.u32 $0x3F, v4  }
0xe: {  	v0 =	vand.u32 $0x1C000, v62;
	v2 =	vsel vm1, $0xFFFFFFFF, v60;
	v3 =	vsel vm1, $0xFFFFFFFF, v61  }
0xf: {  	v0 =	vsel vm1, $0xFFFFC000, v0;
	v63 =	vand.u32 $0x7F, v2;
	v5 =	vshll.u32 v3, $0x8  }
0x10: {  	v2 =	vshll.u32 v2, $0x3;
	v5 =	vand.u32 $0xFFFFF800, v5;
	v0 =	vor.u32 v0, v63  }
0x11: {  	v3 =	vshll.u32 v3, $0x7;
	v2 =	vand.u32 $0xFFFFFC00, v2;
	v0 =	vadd.s32 v5, v0  }
0x12: {  	v3 =	vand.u32 $0x380, v3;
	v0 =	vadd.s32 v2, v0  }
0x13: {  	v0 =	vor.u32 v3, v0;
	_ =	sdelay $0x1  }
0x14: {  	(ifvalue) =	ssetifvalue $0x7FFFFFFF;
	s14 =	sadd.s32 $0x10, s14  }
0x15: {  	[tilespmem:s14], [sflag:$0x1] =	stream.indirect_vreg.gather [hbm4b:s3+s10], $0x1, v1, vm0, $0x4038;
	[tilespmem:$0x200] =	vst v63  }
0x16: {  	(ifvalue) =	ssetifvalue $0x7FFFFFFF;
	s14 =	sadd.s32 $0x10, s14  }
0x17: {  	[tilespmem:s14], [sflag:$0x1] =	stream.indirect_vreg.gather [hbm4b:s3+s10], $0x1, v0, vm0, $0x4038;
	[tilespmem:$0x200] =	vst v63  }
0x18: {  	_ =	swait.ge [sflag:s6], $0x80  }
0x19: {  	s30 =	sshrl.u32 s13, $0x3;
	[sflag:s6] =	ssyncset.done $0x0  }
0x1a: {  	s31 =	sand.u32 $0x7, s13;
	s14 =	sadd.s32 s5, s30;
	[sflag:s6] =	ssyncadd.s32 $0xFFFFFF80  }
0x1b: {  	[hbm4b:s14+s31] =	stream.linear.scatter [tilespmem:s15], [sflag:$0x3], $0x80, $0x38;
	[tilespmem:$0x200] =	vst v63  }
.LBB2_5:
0x1c: {  	s15 =	sadd.s32 $0x1000, s11  }
0x1d: {  	p2 =	sgt.s32 s15, $0x17FF  }
0x1e: {  	s15 =	smov.u32 @p2 s2;
	p2 =	sne.s32 s12, s9  }
.Ltmp1:
0x1f: {  	p1 =	slt.u32 s12, $0x2;
	(pc) =	sbr.rel @!p2 .LBB2_6-.Ltmp1, $4  }
0x20: {  	s14 =	simm.s32 @!p1 $0x3  }
0x21: {  	s16 =	sadd.s32 $0x1, s12;
	_ =	swait.ge @!p1 [sflag:s14], $0x80  }
0x22: {  	s13 =	smov.u32 s11;
	p0 =	por !p0, !p0;
	[sflag:s14] =	ssyncset.done @!p1 $0x0  }
0x23: {  	s12 =	smov.u32 s16;
	s11 =	smov.u32 s15;
	[sflag:s14] =	ssyncadd.s32 @!p1 $0xFFFFFF80  }
.LBB2_1:
0x24: {  	p1 =	sge.u32 s12, s8  }
0x25: {  	s14 =	sxor.u32 @!p1 $0xFFFFFFFF, s12  }
0x26: {  	s31 =	sadd.s32 $0xFFFFFFFF, s12;
	s15 =	sshrl.u32 @!p1 s11, $0x3;
	s14 =	sshll.u32 @!p1 s14, $0x7  }
0x27: {  	s16 =	sand.u32 @!p1 $0x7, s11;
	s15 =	sadd.s32 @!p1 s4, s15;
	s14 =	sand.u32 @!p1 $0x80, s14  }
0x28: {  	[tilespmem:s14], [sflag:$0x2] =	stream.linear.gather @!p1 [hbm4b:s15+s16], $0x80, $0x38;
	[tilespmem:$0x200] =	vst v63  }
0x29: {  	p1 =	sge.u32 s31, s8  }
.Ltmp2:
0x2a: {  	_ = 	snop;
	(pc) =	sbr.rel @p1 .LBB2_5-.Ltmp2, $1  }
0x2b: {  	_ =	sdelay $0x3  }
0x2c: {  	s14 =	simm.s32 $0x1  }
0x2d: {  	_ =	swait.ge [sflag:s7], $0x80;
	s14 =	simm.s32 @!p0 $0x0  }
0x2e: {  	[sflag:s7] =	ssyncset.done $0x0;
	s14 =	sshll.u32 s14, $0x7  }
0x2f: {  	[sflag:s7] =	ssyncadd.s32 $0xFFFFFF80;
	(ifvalue) =	ssetifvalue $0x7FFFFFFF;
	v0 =	vld.msk [tilespmem:s14+$0x0 ss:$0x1], $0xffff;
	_ =	sdelay $0x4  }
0x30: {  	s15 =	sadd.s32 $0x10, s14;
	vm1 =	veq.s32 v0, $0x80000000;
	v1 =	vshrl.u32 v0, $0x3;
	v2 =	vshrl.u32 v0, $0xB  }
0x31: {  	v3 =	vld.msk [tilespmem:s15+$0x0 ss:$0x1], $0xffff;
	v0 =	vshll.u32 v0, $0xE;
	v1 =	vand.u32 $0xFF, v1;
	v2 =	vand.u32 $0x3F, v2  }
0x32: {  	v0 =	vand.u32 $0x1C000, v0;
	v1 =	vsel vm1, $0xFFFFFFFF, v1;
	v2 =	vsel vm1, $0xFFFFFFFF, v2  }
0x33: {  	v0 =	vsel vm1, $0xFFFFC000, v0;
	v4 =	vand.u32 $0x7F, v1;
	v5 =	vshll.u32 v2, $0x8  }
0x34: {  	v1 =	vshll.u32 v1, $0x3;
	v5 =	vand.u32 $0xFFFFF800, v5;
	v0 =	vor.u32 v0, v4  }
0x35: {  	v2 =	vshll.u32 v2, $0x7;
	v1 =	vand.u32 $0xFFFFFC00, v1;
	v0 =	vadd.s32 v5, v0  }
0x36: {  	v62 =	vshrl.u32 v3, $0xB;
	v2 =	vand.u32 $0x380, v2;
	v0 =	vadd.s32 v1, v0  }
0x37: {  	s17 =	sadd.s32 $0x10, s15;
	vm1 =	veq.s32 v3, $0x80000000;
	v1 =	vor.u32 v2, v0;
	v2 =	vshrl.u32 v3, $0x3  }
0x38: {  	v4 =	vand.u32 $0x3F, v62;
	v0 =	vld.msk [tilespmem:s17+$0x0 ss:$0x1], $0xffff;
	v3 =	vshll.u32 v3, $0xE;
	v2 =	vand.u32 $0xFF, v2  }
0x39: {  	v4 =	vsel vm1, $0xFFFFFFFF, v4;
	v3 =	vand.u32 $0x1C000, v3;
	v2 =	vsel vm1, $0xFFFFFFFF, v2  }
0x3a: {  	s31 =	sshll.u32 s12, $0x7;
	v6 =	vshll.u32 v4, $0x8;
	v3 =	vsel vm1, $0xFFFFC000, v3;
	v63 =	vand.u32 $0x7F, v2  }
0x3b: {  	s14 =	sor.u32 $0x100, s14;
	s15 =	sand.u32 $0x80, s31;
	(ifvalue) =	ssetifvalue $0x7FFFFFFF;
	v6 =	vand.u32 $0xFFFFF800, v6;
	v2 =	vshll.u32 v2, $0x3;
	v3 =	vor.u32 v3, v63  }
0x3c: {  	v2 =	vand.u32 $0xFFFFFC00, v2;
	[tilespmem:s14], [sflag:$0x1] =	stream.indirect_vreg.gather [hbm4b:s3+s10], $0x1, v1, vm0, $0x4038;
	v1 =	vshll.u32 v4, $0x7;
	v3 =	vadd.s32 v6, v3;
	[tilespmem:$0x200] =	vst v63  }
0x3d: {  	s16 =	simm.s32 $0x20;
	s15 =	sor.u32 $0x100, s15;
	s17 =	sadd.s32 $0x10, s17;
	vm1 =	veq.s32 v0, $0x80000000;
	v1 =	vand.u32 $0x380, v1;
	v2 =	vadd.s32 v2, v3  }
.LBB2_3:
0x3e: {  	v3 =	vld.msk [tilespmem:s17+$0x0 ss:$0x1], $0xffff;
	v4 =	vshrl.u32 v0, $0x3;
	v5 =	vshrl.u32 v0, $0xB;
	v1 =	vor.u32 v1, v2;
	s16 =	sadd.s32 $0x10, s16  }
0x3f: {  	v0 =	vshll.u32 v0, $0xE;
	v2 =	vand.u32 $0xFF, v4;
	v4 =	vand.u32 $0x3F, v5;
	p1 =	slt.u32 s16, $0x70  }
.Ltmp3:
0x40: {  	v0 =	vand.u32 $0x1C000, v0;
	v2 =	vsel vm1, $0xFFFFFFFF, v2;
	v4 =	vsel vm1, $0xFFFFFFFF, v4;
	(pc) =	sbr.rel @p1 .LBB2_3-.Ltmp3, $4  }
0x41: {  	v0 =	vsel vm1, $0xFFFFC000, v0;
	v5 =	vand.u32 $0x7F, v2;
	v6 =	vshll.u32 v4, $0x8  }
0x42: {  	s14 =	sadd.s32 $0x10, s14;
	v2 =	vshll.u32 v2, $0x3;
	v6 =	vand.u32 $0xFFFFF800, v6;
	v7 =	vor.u32 v0, v5;
	(ifvalue) =	ssetifvalue $0x7FFFFFFF  }
0x43: {  	v4 =	vshll.u32 v4, $0x7;
	v2 =	vand.u32 $0xFFFFFC00, v2;
	v5 =	vadd.s32 v6, v7;
	[tilespmem:s14], [sflag:$0x1] =	stream.indirect_vreg.gather [hbm4b:s3+s10], $0x1, v1, vm0, $0x4038;
	[tilespmem:$0x200] =	vst v63  }
0x44: {  	s17 =	sadd.s32 $0x10, s17;
	vm1 =	veq.s32 v3, $0x80000000;
	v1 =	vand.u32 $0x380, v4;
	v0 =	vmovc v3;
	v2 =	vadd.s32 v2, v5  }
.Ltmp4:
0x45: {  	_ = 	snop;
	(pc) =	sbr.rel .LBB2_4-.Ltmp4, $1  }
0x46: {  	_ =	sdelay $0x3  }
.LBB2_6:
0x47: {  	_ =	sfence.sel $0x180000  }
0x48: {  	s2 =	simm.s32 $0x2;
	[bflag:$0x0] =	sbarrier.arrive $0xFFFF  }
0x49: {  	s30 =	simm.s32 $0x3;
	[sflag:s2] =	ssyncpa.u1 $0x1  }
0x4a: {  	s31 =	simm.s32 $0x1;
	[sflag:s30] =	ssyncpa.u1 $0x1  }
0x4b: {  	[sflag:s31] =	ssyncpa.u1 $0x1  }
0x4c: {  	p0 =	sne.s32 s1, $0x0;
	_ =	strace $0x90000050  }
0x4d: {  	s0 =	sadd.s32 @!p0 $0x100000, s0;
	[bflag:$0x2] =	sbarrier.arrive $0xFFFF  }
0x4e: {  	[sflag:s0] =	ssyncadd.tile.s32 @!p0 $0x1;
	_ =	shalt  }
.Lfunc_end2:
_tile_overlayer_lowered:
.L_overlay_start_2:
0x4f: {  	(tag) =	ssettag $0x2  }
0x50: {  	s0 =	rddreg [dreg:$0x0];
	s2 =	stileid.u32  }
0x51: {  	s1 =	rddreg [dreg:$0x1];
	p0 =	sne.s32 s2, $0x0  }
0x52: {  	s3 =	rddreg [dreg:$0x2];
	[bflag:$0x3] =	sbarrier.arrive $0xFFFF;
	s2 =	simm.s32 @!p0 $0x1C01  }
0x53: {  	[timem:s3], [sflag:s2] =	dma.local @!p0 [hbm:s0], s1  }
0x54: {  	s0 =	simm.s32 @!p0 $0x1  }
0x55: {  	_ =	swait.ge @!p0 [sflag:s0], s1  }
0x56: {  	s1 =	ssub.s32 @!p0 $0x0, s1;
	[sflag:s0] =	ssyncset.done @!p0 $0x0  }
0x57: {  	[sflag:s0] =	ssyncadd.s32 @!p0 s1  }
0x58: {  	[bflag:$0x3] =	sbarrier.arrive $0xFFFF  }
0x59: {  	_ =	shalt  }

// kernel: gather_offload_async_start.4
scs
__scs_entry_jumppad:
0x0: {  	(pc) =	sbr.rel $0x88, $3  }
0x1: {  	(tag) =	ssettag $0x0;
	lr =	simm.s32 $0x1  }
0x2: {  	[smem:$0x3F46] =	sst lr;
	_ =	strace $0xD0000000  }
0x3: {  	_ = 	snop  }
0x4: {  	_ = 	snop  }
0x5: {  	_ = 	snop  }
0x6: {  	_ = 	snop  }
0x7: {  	_ = 	snop  }
__scs_overlays_trampoline_lowered:
0x8: {  	[smem:$0x3F55] =	sst s0  }
0x9: {  	[smem:$0x3F56] =	sst s1  }
0xa: {  	[smem:$0x3F57] =	sst s2  }
0xb: {  	[smem:$0x3F58] =	sst s3  }
0xc: {  	[smem:$0x3F59] =	sst s4  }
0xd: {  	[smem:$0x3F5A] =	sst s5  }
0xe: {  	[smem:$0x3F5B] =	sst s6  }
0xf: {  	[smem:$0x3F5C] =	sst s7  }
0x10: {  	[smem:$0x3F5D] =	sst s8  }
0x11: {  	[smem:$0x3F5E] =	sst s9;
	s0 =	simm.s32 @!p0 $0x0  }
0x12: {  	s1 =	sld [smem:$0x3F44];
	s0 =	simm.s32 @p0 $0x1  }
0x13: {  	[smem:$0x3F5F] =	sst s0;
	s0 =	simm.s32 @!p1 $0x0  }
0x14: {  	s2 =	sld [smem:$0x3F43];
	s0 =	simm.s32 @p1 $0x1  }
0x15: {  	[smem:$0x3F60] =	sst s0;
	s0 =	simm.s32 @!p2 $0x0  }
0x16: {  	s3 =	sld [smem:$0x3FDB];
	s0 =	simm.s32 @p2 $0x1  }
0x17: {  	s4 =	simm.s32 $0x1BF5;
	[smem:$0x3F62] =	sst s0  }
0x18: {  	s0 =	sld [smem:$0x3F45];
	_ =	swait.ge [sflag:s4], $0x0  }
0x19: {  	s7 =	sld [smem:$0x3F46]  }
0x1a: {  	s8 =	sadd.s32 $0xFFFFE003, lr  }
0x1b: {  	s9 =	sadd.s32 $0xFFFFFEF7, lr;
	s5 =	simm.s32 $0xFFFFFFFF;
	p2 =	slt.u32 s8, $0xFFFFF086  }
0x1c: {  	p1 =	slt.u32 s9, $0xF7A;
	s5 =	simm.s32 @!p2 $0x0  }
0x1d: {  	s5 =	simm.s32 @p1 $0x1;
	p0 =	seq.s32 s7, s2  }
0x1e: {  	s7 =	smul.u32 @!p0 $0xF7A, s2;
	p2 =	seq.s32 @!p0 s5, $0x0  }
0x1f: {  	s9 =	smul.u32 $0xF7A, s1;
	s8 =	simm.s32 @!p0 $0x1BF5;
	p2 =	por !p2, p0  }
0x20: {  	[sflag:s8] =	ssyncset.s32 @!p0 $0xFFFFF086;
	s6 =	sadd.s32 @!p0 s3, s7;
	s7 =	simm.s32 @!p0 $0x108  }
0x21: {  	s3 =	sadd.s32 s3, s9;
	s6 =	sadd.s32 @!p0 $0x88, s6;
	s7 =	simm.s32 @p2 $0x1082  }
0x22: {  	[simem:s7], [sflag:s8] =	dma.local @!p0 [hbm:s6], $0xF7A  }
0x23: {  	s9 =	sor.u32 $0xD0000000, s2;
	s6 =	simm.s32 $0x108;
	_ =	swait.ge @!p0 [sflag:s8], $0x0  }
0x24: {  	s3 =	sadd.s32 $0x88, s3;
	s6 =	simm.s32 @!p1 $0x1082;
	[sflag:s4] =	ssyncset.s32 $0xFFFFF086  }
0x25: {  	[simem:s6], [sflag:s4] =	dma.local [hbm:s3], $0xF7A  }
0x26: {  	[smem:$0x3F46] =	sst s1;
	(tag) =	ssettag s2;
	_ =	strace s9  }
0x27: {  	s1 =	sld [smem:$0x3F56]  }
0x28: {  	s2 =	sld [smem:$0x3F57]  }
0x29: {  	s4 =	sld [smem:$0x3F59]  }
0x2a: {  	p0 =	seq.s32 s5, $0x0;
	s5 =	sld [smem:$0x3F5A]  }
0x2b: {  	s6 =	sld [smem:$0x3F5B]  }
0x2c: {  	s7 =	sld [smem:$0x3F5C]  }
0x2d: {  	s3 =	simm.s32 $0x108;
	s8 =	sld [smem:$0x3F5D]  }
0x2e: {  	s3 =	simm.s32 @!p0 $0x1082;
	s9 =	sld [smem:$0x3F5E]  }
0x2f: {  	lr =	sadd.s32 s0, s3;
	s0 =	sld [smem:$0x3F55]  }
0x30: {  	s3 =	sld [smem:$0x3F58]  }
0x31: {  	[smem:$0x3F61] =	sst s10  }
0x32: {  	s10 =	sld [smem:$0x3F5F];
	_ =	sdelay $0x3  }
0x33: {  	p0 =	seq.s32 s10, $0x1;
	s10 =	sld [smem:$0x3F61];
	_ =	sdelay $0x3  }
0x34: {  	[smem:$0x3F61] =	sst s10  }
0x35: {  	s10 =	sld [smem:$0x3F60];
	_ =	sdelay $0x3  }
0x36: {  	p1 =	seq.s32 s10, $0x1;
	s10 =	sld [smem:$0x3F61];
	_ =	sdelay $0x3  }
0x37: {  	[smem:$0x3F61] =	sst s10  }
0x38: {  	s10 =	sld [smem:$0x3F62]  }
0x39: {  	_ = 	snop;
	(pc) =	sbr.ind lr, $3  }
0x3a: {  	_ = 	snop  }
0x3b: {  	_ = 	snop  }
0x3c: {  	p2 =	seq.s32 s10, $0x1;
	s10 =	sld [smem:$0x3F61]  }
0x3d: {  	_ =	shalt  }
0x3e: {  	_ =	shalt  }
0x3f: {  	_ =	shalt  }
0x40: {  	_ =	shalt  }
0x41: {  	_ =	shalt  }
0x42: {  	_ =	shalt  }
0x43: {  	_ =	shalt  }
0x44: {  	_ =	shalt  }
0x45: {  	_ =	shalt  }
0x46: {  	_ =	shalt  }
0x47: {  	_ =	shalt  }
0x48: {  	_ =	shalt  }
0x49: {  	_ =	shalt  }
0x4a: {  	_ =	shalt  }
0x4b: {  	_ =	shalt  }
0x4c: {  	_ =	shalt  }
0x4d: {  	_ =	shalt  }
0x4e: {  	_ =	shalt  }
0x4f: {  	_ =	shalt  }
0x50: {  	_ =	shalt  }
0x51: {  	_ =	shalt  }
0x52: {  	_ =	shalt  }
0x53: {  	_ =	shalt  }
0x54: {  	_ =	shalt  }
0x55: {  	_ =	shalt  }
0x56: {  	_ =	shalt  }
0x57: {  	_ =	shalt  }
0x58: {  	_ =	shalt  }
0x59: {  	_ =	shalt  }
0x5a: {  	_ =	shalt  }
0x5b: {  	_ =	shalt  }
0x5c: {  	_ =	shalt  }
0x5d: {  	_ =	shalt  }
0x5e: {  	_ =	shalt  }
0x5f: {  	_ =	shalt  }
0x60: {  	_ =	shalt  }
0x61: {  	_ =	shalt  }
0x62: {  	_ =	shalt  }
0x63: {  	_ =	shalt  }
0x64: {  	_ =	shalt  }
0x65: {  	_ =	shalt  }
0x66: {  	_ =	shalt  }
0x67: {  	_ =	shalt  }
0x68: {  	_ =	shalt  }
0x69: {  	_ =	shalt  }
0x6a: {  	_ =	shalt  }
0x6b: {  	_ =	shalt  }
0x6c: {  	_ =	shalt  }
0x6d: {  	_ =	shalt  }
0x6e: {  	_ =	shalt  }
0x6f: {  	_ =	shalt  }
0x70: {  	_ =	shalt  }
0x71: {  	_ =	shalt  }
0x72: {  	_ =	shalt  }
0x73: {  	_ =	shalt  }
0x74: {  	_ =	shalt  }
0x75: {  	_ =	shalt  }
0x76: {  	_ =	shalt  }
0x77: {  	_ =	shalt  }
0x78: {  	_ =	shalt  }
0x79: {  	_ =	shalt  }
0x7a: {  	_ =	shalt  }
0x7b: {  	_ =	shalt  }
0x7c: {  	_ =	shalt  }
0x7d: {  	_ =	shalt  }
0x7e: {  	_ =	shalt  }
0x7f: {  	_ =	shalt  }
0x80: {  	_ =	shalt  }
0x81: {  	_ =	shalt  }
0x82: {  	_ =	shalt  }
0x83: {  	_ =	shalt  }
0x84: {  	_ =	shalt  }
0x85: {  	_ =	shalt  }
0x86: {  	_ =	shalt  }
0x87: {  	_ =	shalt  }
.Lfunc_end0:
.L_simem_size_0:
called_computation.4_lowered:
.L_overlay_start_0:
0x88: {  	s2 =	sld [smem:$0x3FD9]  }
0x89: {  	s3 =	sld [smem:$0x3FFE];
	_ =	sdelay $0x1  }
0x8a: {  	s1 =	srdreg.scid  }
0x8b: {  	s0 =	sand.u32 $0x1, s1  }
0x8c: {  	s17 =	sshll.u32 s0, $0xA;
	s2 =	sadd.s32 s3, s2  }
0x8d: {  	s2 =	sadd.s32 s2, s17  }
0x8e: {  	[smem:$0x3F6D] =	sst s2  }
0x8f: {  	_ = 	snop  }
0x90: {  	s2 =	sld [smem:$0x3FD0];
	(tm) =	ssettm $0x1  }
0x91: {  	s18 =	sld [smem:$0x3FFB];
	_ =	sdelay $0x3  }
0x92: {  	_ =	strace s18  }
0x93: {  	s3 =	sld [smem:$0x3FFC];
	_ =	sdelay $0x3  }
0x94: {  	_ =	strace s3  }
0x95: {  	s3 =	sld [smem:$0x3FFD];
	_ =	sdelay $0x3  }
0x96: {  	_ =	strace s3  }
0x97: {  	_ =	strace $0x8FFFFFFF  }
0x98: {  	s19 =	sld [smem:$0x3FDB];
	_ =	sdelay $0x1  }
0x99: {  	s4 =	simm.s32 $_scs_section_size  }
0x9a: {  	s5 =	simm.s32 $_size__tile_overlayer_lowered;
	s6 =	simm.s32 $_tile_overlayer_lowered  }
0x9b: {  	s22 =	simm.s32 $0x1BFF;
	s21 =	sshll.u32 s6, $0x1;
	s3 =	sadd.s32 s4, s19  }
0x9c: {  	s7 =	simm.s32 $0x0;
	s20 =	sshll.u32 s5, $0x1;
	s5 =	sadd.s32 s21, s3  }
0x9d: {  	[timem:s7], [sflag:s22] =	dma.local [hbm:s5], s20  }
0x9e: {  	_ =	swait.ge [sflag:s22], s20  }
0x9f: {  	s4 =	ssub.s32 $0x0, s20;
	[sflag:s22] =	ssyncset.done $0x0  }
0xa0: {  	[sflag:s22] =	ssyncadd.s32 s4;
	_ =	sdelay $0x1  }
0xa1: {  	s23 =	simm.s32 $0x1B8B  }
0xa2: {  	_ =	swait.ge [sflag:s23], $0x1  }
0xa3: {  	[sflag:s23] =	ssyncset.done $0x0  }
0xa4: {  	s25 =	simm.s32 $0x1B8E;
	s24 =	sld [smem:$0x3FFE];
	[sflag:s23] =	ssyncadd.s32 $0xFFFFFFFF  }
0xa5: {  	s26 =	simm.s32 $execute0_lowered;
	[smem:$0x3FD2] =	sst s25  }
0xa6: {  	s5 =	sshll.u32 s26, $0x1;
	_ =	strace $0x80000055;
	[dreg:$0x1] =	wrdreg $0xFFFFFFFF  }
0xa7: {  	s28 =	simm.s32 $_size_execute0_lowered;
	s3 =	sadd.s32 s3, s5;
	[dreg:$0x0] =	wrdreg $0x0  }
0xa8: {  	s5 =	sshll.u32 s28, $0x1;
	[dreg:$0x2] =	wrdreg s3  }
0xa9: {  	[dreg:$0x3] =	wrdreg s5  }
0xaa: {  	[dreg:$0x4] =	wrdreg $0xC0  }
0xab: {  	_ =	task [dreg:s7], $0x5FFFF  }
0xac: {  	[dreg:$0x1] =	wrdreg $0xFFFFFFFF  }
0xad: {  	[dreg:$0x0] =	wrdreg $0x60  }
0xae: {  	[dreg:$0x2] =	wrdreg s24  }
0xaf: {  	[dreg:$0x3] =	wrdreg s2  }
0xb0: {  	[dreg:$0x4] =	wrdreg $0x9  }
0xb1: {  	_ =	task.clear_ibuf [dreg:s7], $0x5FFFF;
	_ =	strace $0x90000055  }
0xb2: {  	s29 =	simm.s32 $0x9;
	_ =	strace $0x80000057  }
0xb3: {  	_ =	swait.ge [sflag:s29], $0x1  }
0xb4: {  	[sflag:s29] =	ssyncadd.s32 $0xFFFFFFFF  }
0xb5: {  	_ =	strace $0x90000057  }
0xb6: {  	_ =	sfence  }
0xb7: {  	s30 =	sld [smem:$0x0];
	_ =	sdelay $0x2  }
0xb8: {  	s31 =	sshll.u32 s1, $0xD;
	s1 =	sshrl.u32 s1, $0x2  }
0xb9: {  	s3 =	sand.u32 $0x4000, s31;
	s1 =	sadd.s32 s1, s30  }
0xba: {  	s0 =	sor.u32 s3, s0;
	s1 =	sshll.u32 s1, $0x11  }
0xbb: {  	s0 =	sor.u32 s1, s0  }
0xbc: {  	s0 =	sadd.s32 $0x8F2B, s0  }
0xbd: {  	[sflag:s0] =	ssyncadd.remote.s32 $0x1  }
0xbe: {  	_ =	sfence.sel $0xFFFF  }
0xbf: {  	[dreg:$0x0] =	wrdreg $0xFFFFFFFF;
	(pc) =	sbr.abs _section_cstart, $3  }
0xc0: {  	[dreg:$0x1] =	wrdreg $0xFFFFFFFF  }
0xc1: {  	_ =	task.clear_ibuf [dreg:s7], $0x2FFFF;
	_ =	strace $0x9FFFFFFF  }
0xc2: {  	(tm) =	ssettm $0x7FFFFFFF  }
0xc3: {  	_ =	shalt  }
tec
execute0_lowered:
.L_overlay_start_1:
0x0: {  	(tag) =	ssettag $0x1  }
0x1: {  	s1 =	srdreg.scid;
	s5 =	rddreg [dreg:$0x0]  }
0x2: {  	s0 =	stileid.u32;
	s2 =	rddreg [dreg:$0x1];
	s6 =	simm.s32 $0x1  }
0x3: {  	s9 =	simm.s32 $0x1;
	s10 =	simm.s32 $0x3;
	s1 =	sshll.u32 s1, $0x9  }
0x4: {  	s13 =	simm.s32 $0x0;
	s3 =	sshll.u32 s0, $0xA;
	s4 =	sand.u32 $0x200, s1  }
0x5: {  	s12 =	simm.s32 $0x0;
	s1 =	rddreg [dreg:$0x2];
	s3 =	sor.u32 s3, s4  }
0x6: {  	_ =	strace $0x80000056;
	s4 =	sadd.s32 $0xC6C00, s5;
	s8 =	ssub.s32 $0x6000, s3  }
.Ltmp0:
0x7: {  	s5 =	sadd.s32 $0xBEC00, s5;
	s7 =	sand.u32 $0x3E00, s8;
	(pc) =	sbr.rel .LBB2_1-.Ltmp0, $4  }
0x8: {  	[sflag:s6] =	ssyncpa.u1 $0x0;
	s11 =	smov.u32 s3;
	p0 =	sne.s32 s7, $0x0  }
0x9: {  	s8 =	sshrl.u32 s8, $0xE;
	s7 =	simm.s32 $0x2;
	s9 =	simm.s32 @!p0 $0x0  }
0xa: {  	[sflag:s7] =	ssyncpa.u1 $0x0;
	p0 =	por $0x0, $0x0;
	s8 =	sadd.s32 s9, s8  }
0xb: {  	vm0 =	vmmov $0xffff;
	[sflag:s10] =	ssyncpa.u1 $0x0;
	s10 =	simm.s32 $0x0;
	s9 =	sadd.s32 $0x1, s8  }
.LBB2_4:
0xc: {  	v3 =	vshrl.u32 v0, $0x3;
	v4 =	vshrl.u32 v0, $0xD;
	v1 =	vor.u32 v1, v2  }
0xd: {  	v62 =	vshll.u32 v0, $0x12;
	v60 =	vand.u32 $0x3FF, v3;
	v61 =	vand.u32 $0xFF, v4  }
0xe: {  	v0 =	vand.u32 $0x1C0000, v62;
	v2 =	vsel vm1, $0xFFFFFFFF, v60;
	v3 =	vsel vm1, $0xFFFFFFFF, v61  }
0xf: {  	v0 =	vsel vm1, $0xFFFC0000, v0;
	v63 =	vand.u32 $0x7F, v3;
	v5 =	vshll.u32 v2, $0x8  }
0x10: {  	v3 =	vshll.u32 v3, $0x3;
	v5 =	vand.u32 $0xFFFFF800, v5;
	v0 =	vor.u32 v0, v63  }
0x11: {  	v2 =	vshll.u32 v2, $0x7;
	v3 =	vand.u32 $0xFFFFFC00, v3;
	v0 =	vadd.s32 v5, v0  }
0x12: {  	v2 =	vand.u32 $0x380, v2;
	v0 =	vadd.s32 v3, v0  }
0x13: {  	v0 =	vor.u32 v2, v0;
	_ =	sdelay $0x1  }
0x14: {  	(ifvalue) =	ssetifvalue $0x7FFFFFFF;
	s14 =	sadd.s32 $0x10, s14  }
0x15: {  	[tilespmem:s14], [sflag:$0x1] =	stream.indirect_vreg.gather [hbm4b:s4+s10], $0x1, v1, vm0, $0x4038;
	[tilespmem:$0x800] =	vst v63  }
0x16: {  	(ifvalue) =	ssetifvalue $0x7FFFFFFF;
	s14 =	sadd.s32 $0x10, s14  }
0x17: {  	[tilespmem:s14], [sflag:$0x1] =	stream.indirect_vreg.gather [hbm4b:s4+s10], $0x1, v0, vm0, $0x4038;
	[tilespmem:$0x800] =	vst v63  }
0x18: {  	_ =	swait.ge [sflag:s6], $0x200  }
0x19: {  	s30 =	sshrl.u32 s13, $0x3;
	[sflag:s6] =	ssyncset.done $0x0  }
0x1a: {  	s31 =	sand.u32 $0x7, s13;
	s14 =	sadd.s32 s2, s30;
	[sflag:s6] =	ssyncadd.s32 $0xFFFFFE00  }
0x1b: {  	[hbm4b:s14+s31] =	stream.linear.scatter [tilespmem:s15], [sflag:$0x3], $0x200, $0x38;
	[tilespmem:$0x800] =	vst v63  }
.LBB2_5:
0x1c: {  	s15 =	sadd.s32 $0x4000, s11  }
0x1d: {  	p2 =	sgt.s32 s15, $0x5FFF  }
0x1e: {  	s15 =	smov.u32 @p2 s3;
	p2 =	sne.s32 s12, s9  }
.Ltmp1:
0x1f: {  	p1 =	slt.u32 s12, $0x2;
	(pc) =	sbr.rel @!p2 .LBB2_6-.Ltmp1, $4  }
0x20: {  	s14 =	simm.s32 @!p1 $0x3  }
0x21: {  	s16 =	sadd.s32 $0x1, s12;
	_ =	swait.ge @!p1 [sflag:s14], $0x200  }
0x22: {  	s13 =	smov.u32 s11;
	p0 =	por !p0, !p0;
	[sflag:s14] =	ssyncset.done @!p1 $0x0  }
0x23: {  	s12 =	smov.u32 s16;
	s11 =	smov.u32 s15;
	[sflag:s14] =	ssyncadd.s32 @!p1 $0xFFFFFE00  }
.LBB2_1:
0x24: {  	p1 =	sge.u32 s12, s8  }
0x25: {  	s14 =	sxor.u32 @!p1 $0xFFFFFFFF, s12  }
0x26: {  	s31 =	sadd.s32 $0xFFFFFFFF, s12;
	s15 =	sshrl.u32 @!p1 s11, $0x3;
	s14 =	sshll.u32 @!p1 s14, $0x9  }
0x27: {  	s16 =	sand.u32 @!p1 $0x7, s11;
	s15 =	sadd.s32 @!p1 s5, s15;
	s14 =	sand.u32 @!p1 $0x200, s14  }
0x28: {  	[tilespmem:s14], [sflag:$0x2] =	stream.linear.gather @!p1 [hbm4b:s15+s16], $0x200, $0x38;
	[tilespmem:$0x800] =	vst v63  }
0x29: {  	p1 =	sge.u32 s31, s8  }
.Ltmp2:
0x2a: {  	_ = 	snop;
	(pc) =	sbr.rel @p1 .LBB2_5-.Ltmp2, $1  }
0x2b: {  	_ =	sdelay $0x3  }
0x2c: {  	s14 =	simm.s32 $0x1  }
0x2d: {  	_ =	swait.ge [sflag:s7], $0x200;
	s14 =	simm.s32 @!p0 $0x0  }
0x2e: {  	[sflag:s7] =	ssyncset.done $0x0;
	s14 =	sshll.u32 s14, $0x9  }
0x2f: {  	[sflag:s7] =	ssyncadd.s32 $0xFFFFFE00;
	(ifvalue) =	ssetifvalue $0x7FFFFFFF;
	v0 =	vld.msk [tilespmem:s14+$0x0 ss:$0x1], $0xffff;
	_ =	sdelay $0x4  }
0x30: {  	s15 =	sadd.s32 $0x10, s14;
	vm1 =	veq.s32 v0, $0x80000000;
	v1 =	vshrl.u32 v0, $0x3;
	v2 =	vshrl.u32 v0, $0xD  }
0x31: {  	v3 =	vld.msk [tilespmem:s15+$0x0 ss:$0x1], $0xffff;
	v0 =	vshll.u32 v0, $0x12;
	v1 =	vand.u32 $0x3FF, v1;
	v2 =	vand.u32 $0xFF, v2  }
0x32: {  	v0 =	vand.u32 $0x1C0000, v0;
	v1 =	vsel vm1, $0xFFFFFFFF, v1;
	v2 =	vsel vm1, $0xFFFFFFFF, v2  }
0x33: {  	v0 =	vsel vm1, $0xFFFC0000, v0;
	v4 =	vand.u32 $0x7F, v2;
	v5 =	vshll.u32 v1, $0x8  }
0x34: {  	v2 =	vshll.u32 v2, $0x3;
	v5 =	vand.u32 $0xFFFFF800, v5;
	v0 =	vor.u32 v0, v4  }
0x35: {  	v1 =	vshll.u32 v1, $0x7;
	v2 =	vand.u32 $0xFFFFFC00, v2;
	v0 =	vadd.s32 v5, v0  }
0x36: {  	v62 =	vshrl.u32 v3, $0xD;
	v1 =	vand.u32 $0x380, v1;
	v0 =	vadd.s32 v2, v0  }
0x37: {  	s17 =	sadd.s32 $0x10, s15;
	vm1 =	veq.s32 v3, $0x80000000;
	v2 =	vshrl.u32 v3, $0x3;
	v1 =	vor.u32 v1, v0  }
0x38: {  	v4 =	vand.u32 $0xFF, v62;
	v3 =	vshll.u32 v3, $0x12;
	v0 =	vld.msk [tilespmem:s17+$0x0 ss:$0x1], $0xffff;
	v2 =	vand.u32 $0x3FF, v2  }
0x39: {  	v4 =	vsel vm1, $0xFFFFFFFF, v4;
	v3 =	vand.u32 $0x1C0000, v3;
	v2 =	vsel vm1, $0xFFFFFFFF, v2  }
0x3a: {  	s31 =	sshll.u32 s12, $0x9;
	v63 =	vand.u32 $0x7F, v4;
	v3 =	vsel vm1, $0xFFFC0000, v3;
	v6 =	vshll.u32 v2, $0x8  }
0x3b: {  	s14 =	sor.u32 $0x400, s14;
	s15 =	sand.u32 $0x200, s31;
	v4 =	vshll.u32 v4, $0x3;
	(ifvalue) =	ssetifvalue $0x7FFFFFFF;
	v3 =	vor.u32 v3, v63;
	v6 =	vand.u32 $0xFFFFF800, v6  }
0x3c: {  	v4 =	vand.u32 $0xFFFFFC00, v4;
	[tilespmem:s14], [sflag:$0x1] =	stream.indirect_vreg.gather [hbm4b:s4+s10], $0x1, v1, vm0, $0x4038;
	v1 =	vshll.u32 v2, $0x7;
	v2 =	vadd.s32 v6, v3;
	[tilespmem:$0x800] =	vst v63  }
0x3d: {  	s16 =	simm.s32 $0x20;
	s15 =	sor.u32 $0x400, s15;
	s17 =	sadd.s32 $0x10, s17;
	vm1 =	veq.s32 v0, $0x80000000;
	v1 =	vand.u32 $0x380, v1;
	v2 =	vadd.s32 v4, v2  }
.LBB2_3:
0x3e: {  	v3 =	vld.msk [tilespmem:s17+$0x0 ss:$0x1], $0xffff;
	v4 =	vshrl.u32 v0, $0x3;
	v5 =	vshrl.u32 v0, $0xD;
	v1 =	vor.u32 v1, v2;
	s16 =	sadd.s32 $0x10, s16  }
0x3f: {  	v0 =	vshll.u32 v0, $0x12;
	v2 =	vand.u32 $0x3FF, v4;
	v4 =	vand.u32 $0xFF, v5;
	p1 =	slt.u32 s16, $0x1F0  }
.Ltmp3:
0x40: {  	v0 =	vand.u32 $0x1C0000, v0;
	v2 =	vsel vm1, $0xFFFFFFFF, v2;
	v4 =	vsel vm1, $0xFFFFFFFF, v4;
	(pc) =	sbr.rel @p1 .LBB2_3-.Ltmp3, $4  }
0x41: {  	v0 =	vsel vm1, $0xFFFC0000, v0;
	v5 =	vand.u32 $0x7F, v4;
	v6 =	vshll.u32 v2, $0x8  }
0x42: {  	s14 =	sadd.s32 $0x10, s14;
	v4 =	vshll.u32 v4, $0x3;
	v6 =	vand.u32 $0xFFFFF800, v6;
	v7 =	vor.u32 v0, v5;
	(ifvalue) =	ssetifvalue $0x7FFFFFFF  }
0x43: {  	v2 =	vshll.u32 v2, $0x7;
	v4 =	vand.u32 $0xFFFFFC00, v4;
	v5 =	vadd.s32 v6, v7;
	[tilespmem:s14], [sflag:$0x1] =	stream.indirect_vreg.gather [hbm4b:s4+s10], $0x1, v1, vm0, $0x4038;
	[tilespmem:$0x800] =	vst v63  }
0x44: {  	s17 =	sadd.s32 $0x10, s17;
	vm1 =	veq.s32 v3, $0x80000000;
	v1 =	vand.u32 $0x380, v2;
	v0 =	vmovc v3;
	v2 =	vadd.s32 v4, v5  }
.Ltmp4:
0x45: {  	_ = 	snop;
	(pc) =	sbr.rel .LBB2_4-.Ltmp4, $1  }
0x46: {  	_ =	sdelay $0x3  }
.LBB2_6:
0x47: {  	_ =	sfence.sel $0x180000  }
0x48: {  	s2 =	simm.s32 $0x2;
	[bflag:$0x0] =	sbarrier.arrive $0xFFFF  }
0x49: {  	s30 =	simm.s32 $0x3;
	[sflag:s2] =	ssyncpa.u1 $0x1  }
0x4a: {  	s31 =	simm.s32 $0x1;
	[sflag:s30] =	ssyncpa.u1 $0x1  }
0x4b: {  	[sflag:s31] =	ssyncpa.u1 $0x1  }
0x4c: {  	p0 =	sne.s32 s0, $0x0;
	_ =	strace $0x90000056  }
0x4d: {  	s0 =	sadd.s32 @!p0 $0x100000, s1;
	[bflag:$0x2] =	sbarrier.arrive $0xFFFF  }
0x4e: {  	[sflag:s0] =	ssyncadd.tile.s32 @!p0 $0x1;
	_ =	shalt  }
.Lfunc_end2:
_tile_overlayer_lowered:
.L_overlay_start_2:
0x4f: {  	(tag) =	ssettag $0x2  }
0x50: {  	s0 =	rddreg [dreg:$0x0];
	s2 =	stileid.u32  }
0x51: {  	s1 =	rddreg [dreg:$0x1];
	p0 =	sne.s32 s2, $0x0  }
0x52: {  	s3 =	rddreg [dreg:$0x2];
	[bflag:$0x3] =	sbarrier.arrive $0xFFFF;
	s2 =	simm.s32 @!p0 $0x1C01  }
0x53: {  	[timem:s3], [sflag:s2] =	dma.local @!p0 [hbm:s0], s1  }
0x54: {  	s0 =	simm.s32 @!p0 $0x1  }
0x55: {  	_ =	swait.ge @!p0 [sflag:s0], s1  }
0x56: {  	s1 =	ssub.s32 @!p0 $0x0, s1;
	[sflag:s0] =	ssyncset.done @!p0 $0x0  }
0x57: {  	[sflag:s0] =	ssyncadd.s32 @!p0 s1  }
0x58: {  	[bflag:$0x3] =	sbarrier.arrive $0xFFFF  }
0x59: {  	_ =	shalt  }

// kernel: gather_offload_async_start.5
scs
__scs_entry_jumppad:
0x0: {  	(pc) =	sbr.rel $0x88, $3  }
0x1: {  	(tag) =	ssettag $0x0;
	lr =	simm.s32 $0x1  }
0x2: {  	[smem:$0x3F46] =	sst lr;
	_ =	strace $0xD0000000  }
0x3: {  	_ = 	snop  }
0x4: {  	_ = 	snop  }
0x5: {  	_ = 	snop  }
0x6: {  	_ = 	snop  }
0x7: {  	_ = 	snop  }
__scs_overlays_trampoline_lowered:
0x8: {  	[smem:$0x3F55] =	sst s0  }
0x9: {  	[smem:$0x3F56] =	sst s1  }
0xa: {  	[smem:$0x3F57] =	sst s2  }
0xb: {  	[smem:$0x3F58] =	sst s3  }
0xc: {  	[smem:$0x3F59] =	sst s4  }
0xd: {  	[smem:$0x3F5A] =	sst s5  }
0xe: {  	[smem:$0x3F5B] =	sst s6  }
0xf: {  	[smem:$0x3F5C] =	sst s7  }
0x10: {  	[smem:$0x3F5D] =	sst s8  }
0x11: {  	[smem:$0x3F5E] =	sst s9;
	s0 =	simm.s32 @!p0 $0x0  }
0x12: {  	s1 =	sld [smem:$0x3F44];
	s0 =	simm.s32 @p0 $0x1  }
0x13: {  	[smem:$0x3F5F] =	sst s0;
	s0 =	simm.s32 @!p1 $0x0  }
0x14: {  	s2 =	sld [smem:$0x3F43];
	s0 =	simm.s32 @p1 $0x1  }
0x15: {  	[smem:$0x3F60] =	sst s0;
	s0 =	simm.s32 @!p2 $0x0  }
0x16: {  	s3 =	sld [smem:$0x3FDB];
	s0 =	simm.s32 @p2 $0x1  }
0x17: {  	s4 =	simm.s32 $0x1BF5;
	[smem:$0x3F62] =	sst s0  }
0x18: {  	s0 =	sld [smem:$0x3F45];
	_ =	swait.ge [sflag:s4], $0x0  }
0x19: {  	s7 =	sld [smem:$0x3F46]  }
0x1a: {  	s8 =	sadd.s32 $0xFFFFE003, lr  }
0x1b: {  	s9 =	sadd.s32 $0xFFFFFEF7, lr;
	s5 =	simm.s32 $0xFFFFFFFF;
	p2 =	slt.u32 s8, $0xFFFFF086  }
0x1c: {  	p1 =	slt.u32 s9, $0xF7A;
	s5 =	simm.s32 @!p2 $0x0  }
0x1d: {  	s5 =	simm.s32 @p1 $0x1;
	p0 =	seq.s32 s7, s2  }
0x1e: {  	s7 =	smul.u32 @!p0 $0xF7A, s2;
	p2 =	seq.s32 @!p0 s5, $0x0  }
0x1f: {  	s9 =	smul.u32 $0xF7A, s1;
	s8 =	simm.s32 @!p0 $0x1BF5;
	p2 =	por !p2, p0  }
0x20: {  	[sflag:s8] =	ssyncset.s32 @!p0 $0xFFFFF086;
	s6 =	sadd.s32 @!p0 s3, s7;
	s7 =	simm.s32 @!p0 $0x108  }
0x21: {  	s3 =	sadd.s32 s3, s9;
	s6 =	sadd.s32 @!p0 $0x88, s6;
	s7 =	simm.s32 @p2 $0x1082  }
0x22: {  	[simem:s7], [sflag:s8] =	dma.local @!p0 [hbm:s6], $0xF7A  }
0x23: {  	s9 =	sor.u32 $0xD0000000, s2;
	s6 =	simm.s32 $0x108;
	_ =	swait.ge @!p0 [sflag:s8], $0x0  }
0x24: {  	s3 =	sadd.s32 $0x88, s3;
	s6 =	simm.s32 @!p1 $0x1082;
	[sflag:s4] =	ssyncset.s32 $0xFFFFF086  }
0x25: {  	[simem:s6], [sflag:s4] =	dma.local [hbm:s3], $0xF7A  }
0x26: {  	[smem:$0x3F46] =	sst s1;
	(tag) =	ssettag s2;
	_ =	strace s9  }
0x27: {  	s1 =	sld [smem:$0x3F56]  }
0x28: {  	s2 =	sld [smem:$0x3F57]  }
0x29: {  	s4 =	sld [smem:$0x3F59]  }
0x2a: {  	p0 =	seq.s32 s5, $0x0;
	s5 =	sld [smem:$0x3F5A]  }
0x2b: {  	s6 =	sld [smem:$0x3F5B]  }
0x2c: {  	s7 =	sld [smem:$0x3F5C]  }
0x2d: {  	s3 =	simm.s32 $0x108;
	s8 =	sld [smem:$0x3F5D]  }
0x2e: {  	s3 =	simm.s32 @!p0 $0x1082;
	s9 =	sld [smem:$0x3F5E]  }
0x2f: {  	lr =	sadd.s32 s0, s3;
	s0 =	sld [smem:$0x3F55]  }
0x30: {  	s3 =	sld [smem:$0x3F58]  }
0x31: {  	[smem:$0x3F61] =	sst s10  }
0x32: {  	s10 =	sld [smem:$0x3F5F];
	_ =	sdelay $0x3  }
0x33: {  	p0 =	seq.s32 s10, $0x1;
	s10 =	sld [smem:$0x3F61];
	_ =	sdelay $0x3  }
0x34: {  	[smem:$0x3F61] =	sst s10  }
0x35: {  	s10 =	sld [smem:$0x3F60];
	_ =	sdelay $0x3  }
0x36: {  	p1 =	seq.s32 s10, $0x1;
	s10 =	sld [smem:$0x3F61];
	_ =	sdelay $0x3  }
0x37: {  	[smem:$0x3F61] =	sst s10  }
0x38: {  	s10 =	sld [smem:$0x3F62]  }
0x39: {  	_ = 	snop;
	(pc) =	sbr.ind lr, $3  }
0x3a: {  	_ = 	snop  }
0x3b: {  	_ = 	snop  }
0x3c: {  	p2 =	seq.s32 s10, $0x1;
	s10 =	sld [smem:$0x3F61]  }
0x3d: {  	_ =	shalt  }
0x3e: {  	_ =	shalt  }
0x3f: {  	_ =	shalt  }
0x40: {  	_ =	shalt  }
0x41: {  	_ =	shalt  }
0x42: {  	_ =	shalt  }
0x43: {  	_ =	shalt  }
0x44: {  	_ =	shalt  }
0x45: {  	_ =	shalt  }
0x46: {  	_ =	shalt  }
0x47: {  	_ =	shalt  }
0x48: {  	_ =	shalt  }
0x49: {  	_ =	shalt  }
0x4a: {  	_ =	shalt  }
0x4b: {  	_ =	shalt  }
0x4c: {  	_ =	shalt  }
0x4d: {  	_ =	shalt  }
0x4e: {  	_ =	shalt  }
0x4f: {  	_ =	shalt  }
0x50: {  	_ =	shalt  }
0x51: {  	_ =	shalt  }
0x52: {  	_ =	shalt  }
0x53: {  	_ =	shalt  }
0x54: {  	_ =	shalt  }
0x55: {  	_ =	shalt  }
0x56: {  	_ =	shalt  }
0x57: {  	_ =	shalt  }
0x58: {  	_ =	shalt  }
0x59: {  	_ =	shalt  }
0x5a: {  	_ =	shalt  }
0x5b: {  	_ =	shalt  }
0x5c: {  	_ =	shalt  }
0x5d: {  	_ =	shalt  }
0x5e: {  	_ =	shalt  }
0x5f: {  	_ =	shalt  }
0x60: {  	_ =	shalt  }
0x61: {  	_ =	shalt  }
0x62: {  	_ =	shalt  }
0x63: {  	_ =	shalt  }
0x64: {  	_ =	shalt  }
0x65: {  	_ =	shalt  }
0x66: {  	_ =	shalt  }
0x67: {  	_ =	shalt  }
0x68: {  	_ =	shalt  }
0x69: {  	_ =	shalt  }
0x6a: {  	_ =	shalt  }
0x6b: {  	_ =	shalt  }
0x6c: {  	_ =	shalt  }
0x6d: {  	_ =	shalt  }
0x6e: {  	_ =	shalt  }
0x6f: {  	_ =	shalt  }
0x70: {  	_ =	shalt  }
0x71: {  	_ =	shalt  }
0x72: {  	_ =	shalt  }
0x73: {  	_ =	shalt  }
0x74: {  	_ =	shalt  }
0x75: {  	_ =	shalt  }
0x76: {  	_ =	shalt  }
0x77: {  	_ =	shalt  }
0x78: {  	_ =	shalt  }
0x79: {  	_ =	shalt  }
0x7a: {  	_ =	shalt  }
0x7b: {  	_ =	shalt  }
0x7c: {  	_ =	shalt  }
0x7d: {  	_ =	shalt  }
0x7e: {  	_ =	shalt  }
0x7f: {  	_ =	shalt  }
0x80: {  	_ =	shalt  }
0x81: {  	_ =	shalt  }
0x82: {  	_ =	shalt  }
0x83: {  	_ =	shalt  }
0x84: {  	_ =	shalt  }
0x85: {  	_ =	shalt  }
0x86: {  	_ =	shalt  }
0x87: {  	_ =	shalt  }
.Lfunc_end0:
.L_simem_size_0:
called_computation.5_lowered:
.L_overlay_start_0:
0x88: {  	s2 =	sld [smem:$0x3FD9]  }
0x89: {  	s3 =	sld [smem:$0x3FFE];
	_ =	sdelay $0x1  }
0x8a: {  	s1 =	srdreg.scid  }
0x8b: {  	s0 =	sand.u32 $0x1, s1  }
0x8c: {  	s17 =	sshll.u32 s0, $0xA;
	s2 =	sadd.s32 s3, s2  }
0x8d: {  	s2 =	sadd.s32 s2, s17  }
0x8e: {  	[smem:$0x3F6D] =	sst s2  }
0x8f: {  	_ = 	snop  }
0x90: {  	s2 =	sld [smem:$0x3FD0];
	(tm) =	ssettm $0x1  }
0x91: {  	s18 =	sld [smem:$0x3FFB];
	_ =	sdelay $0x3  }
0x92: {  	_ =	strace s18  }
0x93: {  	s3 =	sld [smem:$0x3FFC];
	_ =	sdelay $0x3  }
0x94: {  	_ =	strace s3  }
0x95: {  	s3 =	sld [smem:$0x3FFD];
	_ =	sdelay $0x3  }
0x96: {  	_ =	strace s3  }
0x97: {  	_ =	strace $0x8FFFFFFF  }
0x98: {  	s19 =	sld [smem:$0x3FDB];
	_ =	sdelay $0x1  }
0x99: {  	s4 =	simm.s32 $_scs_section_size  }
0x9a: {  	s5 =	simm.s32 $_size__tile_overlayer_lowered;
	s6 =	simm.s32 $_tile_overlayer_lowered  }
0x9b: {  	s22 =	simm.s32 $0x1BFF;
	s21 =	sshll.u32 s6, $0x1;
	s3 =	sadd.s32 s4, s19  }
0x9c: {  	s7 =	simm.s32 $0x0;
	s20 =	sshll.u32 s5, $0x1;
	s5 =	sadd.s32 s21, s3  }
0x9d: {  	[timem:s7], [sflag:s22] =	dma.local [hbm:s5], s20  }
0x9e: {  	_ =	swait.ge [sflag:s22], s20  }
0x9f: {  	s4 =	ssub.s32 $0x0, s20;
	[sflag:s22] =	ssyncset.done $0x0  }
0xa0: {  	[sflag:s22] =	ssyncadd.s32 s4;
	_ =	sdelay $0x1  }
0xa1: {  	s23 =	simm.s32 $0x1B8B  }
0xa2: {  	_ =	swait.ge [sflag:s23], $0x1  }
0xa3: {  	[sflag:s23] =	ssyncset.done $0x0  }
0xa4: {  	s25 =	simm.s32 $0x1B8E;
	s24 =	sld [smem:$0x3FFE];
	[sflag:s23] =	ssyncadd.s32 $0xFFFFFFFF  }
0xa5: {  	s26 =	simm.s32 $execute0_lowered;
	[smem:$0x3FD2] =	sst s25  }
0xa6: {  	s5 =	sshll.u32 s26, $0x1;
	_ =	strace $0x80000049;
	[dreg:$0x1] =	wrdreg $0xFFFFFFFF  }
0xa7: {  	s28 =	simm.s32 $_size_execute0_lowered;
	s3 =	sadd.s32 s3, s5;
	[dreg:$0x0] =	wrdreg $0x0  }
0xa8: {  	s5 =	sshll.u32 s28, $0x1;
	[dreg:$0x2] =	wrdreg s3  }
0xa9: {  	[dreg:$0x3] =	wrdreg s5  }
0xaa: {  	[dreg:$0x4] =	wrdreg $0xC0  }
0xab: {  	_ =	task [dreg:s7], $0x5FFFF  }
0xac: {  	[dreg:$0x1] =	wrdreg $0xFFFFFFFF  }
0xad: {  	[dreg:$0x0] =	wrdreg $0x60  }
0xae: {  	[dreg:$0x2] =	wrdreg s24  }
0xaf: {  	[dreg:$0x3] =	wrdreg s2  }
0xb0: {  	[dreg:$0x4] =	wrdreg $0x9  }
0xb1: {  	_ =	task.clear_ibuf [dreg:s7], $0x5FFFF;
	_ =	strace $0x90000049  }
0xb2: {  	s29 =	simm.s32 $0x9;
	_ =	strace $0x8000004B  }
0xb3: {  	_ =	swait.ge [sflag:s29], $0x1  }
0xb4: {  	[sflag:s29] =	ssyncadd.s32 $0xFFFFFFFF  }
0xb5: {  	_ =	strace $0x9000004B  }
0xb6: {  	_ =	sfence  }
0xb7: {  	s30 =	sld [smem:$0x0];
	_ =	sdelay $0x2  }
0xb8: {  	s31 =	sshll.u32 s1, $0xD;
	s1 =	sshrl.u32 s1, $0x2  }
0xb9: {  	s3 =	sand.u32 $0x4000, s31;
	s1 =	sadd.s32 s1, s30  }
0xba: {  	s0 =	sor.u32 s3, s0;
	s1 =	sshll.u32 s1, $0x11  }
0xbb: {  	s0 =	sor.u32 s1, s0  }
0xbc: {  	s0 =	sadd.s32 $0x8F2B, s0  }
0xbd: {  	[sflag:s0] =	ssyncadd.remote.s32 $0x1  }
0xbe: {  	_ =	sfence.sel $0xFFFF  }
0xbf: {  	[dreg:$0x0] =	wrdreg $0xFFFFFFFF;
	(pc) =	sbr.abs _section_cstart, $3  }
0xc0: {  	[dreg:$0x1] =	wrdreg $0xFFFFFFFF  }
0xc1: {  	_ =	task.clear_ibuf [dreg:s7], $0x2FFFF;
	_ =	strace $0x9FFFFFFF  }
0xc2: {  	(tm) =	ssettm $0x7FFFFFFF  }
0xc3: {  	_ =	shalt  }
tec
execute0_lowered:
.L_overlay_start_1:
0x0: {  	(tag) =	ssettag $0x1  }
0x1: {  	s1 =	srdreg.scid;
	s5 =	rddreg [dreg:$0x0]  }
0x2: {  	s0 =	stileid.u32;
	s2 =	rddreg [dreg:$0x1];
	s6 =	simm.s32 $0x1  }
0x3: {  	s9 =	simm.s32 $0x1;
	s10 =	simm.s32 $0x3;
	s1 =	sshll.u32 s1, $0xB  }
0x4: {  	s13 =	simm.s32 $0x0;
	s3 =	sshll.u32 s0, $0xC;
	s4 =	sand.u32 $0x800, s1  }
0x5: {  	s12 =	simm.s32 $0x0;
	s1 =	rddreg [dreg:$0x2];
	s3 =	sor.u32 s3, s4  }
0x6: {  	_ =	strace $0x8000004A;
	s4 =	sadd.s32 $0xE2200, s5;
	s8 =	ssub.s32 $0x18000, s3  }
.Ltmp0:
0x7: {  	s5 =	sadd.s32 $0xBCC00, s5;
	s7 =	sand.u32 $0xF800, s8;
	(pc) =	sbr.rel .LBB2_1-.Ltmp0, $4  }
0x8: {  	[sflag:s6] =	ssyncpa.u1 $0x0;
	s11 =	smov.u32 s3;
	p0 =	sne.s32 s7, $0x0  }
0x9: {  	s8 =	sshrl.u32 s8, $0x10;
	s7 =	simm.s32 $0x2;
	s9 =	simm.s32 @!p0 $0x0  }
0xa: {  	[sflag:s7] =	ssyncpa.u1 $0x0;
	p0 =	por $0x0, $0x0;
	s8 =	sadd.s32 s9, s8  }
0xb: {  	vm0 =	vmmov $0xffff;
	[sflag:s10] =	ssyncpa.u1 $0x0;
	s10 =	simm.s32 $0x0;
	s9 =	sadd.s32 $0x1, s8  }
.LBB2_4:
0xc: {  	v3 =	vshrl.u32 v0, $0x3;
	v4 =	vshrl.u32 v0, $0xF;
	v1 =	vor.u32 v1, v2  }
0xd: {  	v62 =	vshll.u32 v0, $0x16;
	v60 =	vand.u32 $0xFFF, v3;
	v61 =	vand.u32 $0x3FF, v4  }
0xe: {  	v0 =	vand.u32 $0x1C00000, v62;
	v2 =	vsel vm1, $0xFFFFFFFF, v60;
	v3 =	vsel vm1, $0xFFFFFFFF, v61  }
0xf: {  	v0 =	vsel vm1, $0xFFC00000, v0;
	v63 =	vand.u32 $0x7F, v2;
	v5 =	vshll.u32 v3, $0xC  }
0x10: {  	v2 =	vshll.u32 v2, $0x3;
	v5 =	vand.u32 $0xFFFF8000, v5;
	v0 =	vor.u32 v0, v63  }
0x11: {  	v3 =	vshll.u32 v3, $0x7;
	v2 =	vand.u32 $0xFFFFFC00, v2;
	v0 =	vadd.s32 v5, v0  }
0x12: {  	v3 =	vand.u32 $0x380, v3;
	v0 =	vadd.s32 v2, v0  }
0x13: {  	v0 =	vor.u32 v3, v0;
	_ =	sdelay $0x1  }
0x14: {  	(ifvalue) =	ssetifvalue $0x7FFFFFFF;
	s14 =	sadd.s32 $0x10, s14  }
0x15: {  	[tilespmem:s14], [sflag:$0x1] =	stream.indirect_vreg.gather [hbm4b:s4+s10], $0x1, v1, vm0, $0x4038;
	[tilespmem:$0x2000] =	vst v63  }
0x16: {  	(ifvalue) =	ssetifvalue $0x7FFFFFFF;
	s14 =	sadd.s32 $0x10, s14  }
0x17: {  	[tilespmem:s14], [sflag:$0x1] =	stream.indirect_vreg.gather [hbm4b:s4+s10], $0x1, v0, vm0, $0x4038;
	[tilespmem:$0x2000] =	vst v63  }
0x18: {  	_ =	swait.ge [sflag:s6], $0x800  }
0x19: {  	s30 =	sshrl.u32 s13, $0x3;
	[sflag:s6] =	ssyncset.done $0x0  }
0x1a: {  	s31 =	sand.u32 $0x7, s13;
	s14 =	sadd.s32 s5, s30;
	[sflag:s6] =	ssyncadd.s32 $0xFFFFF800  }
0x1b: {  	[hbm4b:s14+s31] =	stream.linear.scatter [tilespmem:s15], [sflag:$0x3], $0x800, $0x38;
	[tilespmem:$0x2000] =	vst v63  }
.LBB2_5:
0x1c: {  	s15 =	sadd.s32 $0x10000, s11  }
0x1d: {  	p2 =	sgt.s32 s15, $0x17FFF  }
0x1e: {  	s15 =	smov.u32 @p2 s3;
	p2 =	sne.s32 s12, s9  }
.Ltmp1:
0x1f: {  	p1 =	slt.u32 s12, $0x2;
	(pc) =	sbr.rel @!p2 .LBB2_6-.Ltmp1, $4  }
0x20: {  	s14 =	simm.s32 @!p1 $0x3  }
0x21: {  	s16 =	sadd.s32 $0x1, s12;
	_ =	swait.ge @!p1 [sflag:s14], $0x800  }
0x22: {  	s13 =	smov.u32 s11;
	p0 =	por !p0, !p0;
	[sflag:s14] =	ssyncset.done @!p1 $0x0  }
0x23: {  	s12 =	smov.u32 s16;
	s11 =	smov.u32 s15;
	[sflag:s14] =	ssyncadd.s32 @!p1 $0xFFFFF800  }
.LBB2_1:
0x24: {  	p1 =	sge.u32 s12, s8  }
0x25: {  	s14 =	sxor.u32 @!p1 $0xFFFFFFFF, s12  }
0x26: {  	s31 =	sadd.s32 $0xFFFFFFFF, s12;
	s15 =	sshrl.u32 @!p1 s11, $0x3;
	s14 =	sshll.u32 @!p1 s14, $0xB  }
0x27: {  	s16 =	sand.u32 @!p1 $0x7, s11;
	s15 =	sadd.s32 @!p1 s2, s15;
	s14 =	sand.u32 @!p1 $0x800, s14  }
0x28: {  	[tilespmem:s14], [sflag:$0x2] =	stream.linear.gather @!p1 [hbm4b:s15+s16], $0x800, $0x38;
	[tilespmem:$0x2000] =	vst v63  }
0x29: {  	p1 =	sge.u32 s31, s8  }
.Ltmp2:
0x2a: {  	_ = 	snop;
	(pc) =	sbr.rel @p1 .LBB2_5-.Ltmp2, $1  }
0x2b: {  	_ =	sdelay $0x3  }
0x2c: {  	s14 =	simm.s32 $0x1  }
0x2d: {  	_ =	swait.ge [sflag:s7], $0x800;
	s14 =	simm.s32 @!p0 $0x0  }
0x2e: {  	[sflag:s7] =	ssyncset.done $0x0;
	s14 =	sshll.u32 s14, $0xB  }
0x2f: {  	[sflag:s7] =	ssyncadd.s32 $0xFFFFF800;
	(ifvalue) =	ssetifvalue $0x7FFFFFFF;
	v0 =	vld.msk [tilespmem:s14+$0x0 ss:$0x1], $0xffff;
	_ =	sdelay $0x4  }
0x30: {  	s15 =	sadd.s32 $0x10, s14;
	vm1 =	veq.s32 v0, $0x80000000;
	v1 =	vshrl.u32 v0, $0x3;
	v2 =	vshrl.u32 v0, $0xF  }
0x31: {  	v3 =	vld.msk [tilespmem:s15+$0x0 ss:$0x1], $0xffff;
	v0 =	vshll.u32 v0, $0x16;
	v1 =	vand.u32 $0xFFF, v1;
	v2 =	vand.u32 $0x3FF, v2  }
0x32: {  	v0 =	vand.u32 $0x1C00000, v0;
	v1 =	vsel vm1, $0xFFFFFFFF, v1;
	v2 =	vsel vm1, $0xFFFFFFFF, v2  }
0x33: {  	v0 =	vsel vm1, $0xFFC00000, v0;
	v4 =	vand.u32 $0x7F, v1;
	v5 =	vshll.u32 v2, $0xC  }
0x34: {  	v1 =	vshll.u32 v1, $0x3;
	v5 =	vand.u32 $0xFFFF8000, v5;
	v0 =	vor.u32 v0, v4  }
0x35: {  	v2 =	vshll.u32 v2, $0x7;
	v1 =	vand.u32 $0xFFFFFC00, v1;
	v0 =	vadd.s32 v5, v0  }
0x36: {  	v62 =	vshrl.u32 v3, $0xF;
	v2 =	vand.u32 $0x380, v2;
	v0 =	vadd.s32 v1, v0  }
0x37: {  	s17 =	sadd.s32 $0x10, s15;
	vm1 =	veq.s32 v3, $0x80000000;
	v1 =	vor.u32 v2, v0;
	v2 =	vshrl.u32 v3, $0x3  }
0x38: {  	v4 =	vand.u32 $0x3FF, v62;
	v0 =	vld.msk [tilespmem:s17+$0x0 ss:$0x1], $0xffff;
	v3 =	vshll.u32 v3, $0x16;
	v2 =	vand.u32 $0xFFF, v2  }
0x39: {  	v4 =	vsel vm1, $0xFFFFFFFF, v4;
	v3 =	vand.u32 $0x1C00000, v3;
	v2 =	vsel vm1, $0xFFFFFFFF, v2  }
0x3a: {  	s31 =	sshll.u32 s12, $0xB;
	v6 =	vshll.u32 v4, $0xC;
	v3 =	vsel vm1, $0xFFC00000, v3;
	v63 =	vand.u32 $0x7F, v2  }
0x3b: {  	s14 =	sor.u32 $0x1000, s14;
	s15 =	sand.u32 $0x800, s31;
	(ifvalue) =	ssetifvalue $0x7FFFFFFF;
	v6 =	vand.u32 $0xFFFF8000, v6;
	v2 =	vshll.u32 v2, $0x3;
	v3 =	vor.u32 v3, v63  }
0x3c: {  	v2 =	vand.u32 $0xFFFFFC00, v2;
	[tilespmem:s14], [sflag:$0x1] =	stream.indirect_vreg.gather [hbm4b:s4+s10], $0x1, v1, vm0, $0x4038;
	v1 =	vshll.u32 v4, $0x7;
	v3 =	vadd.s32 v6, v3;
	[tilespmem:$0x2000] =	vst v63  }
0x3d: {  	s16 =	simm.s32 $0x20;
	s15 =	sor.u32 $0x1000, s15;
	s17 =	sadd.s32 $0x10, s17;
	vm1 =	veq.s32 v0, $0x80000000;
	v1 =	vand.u32 $0x380, v1;
	v2 =	vadd.s32 v2, v3  }
.LBB2_3:
0x3e: {  	v3 =	vld.msk [tilespmem:s17+$0x0 ss:$0x1], $0xffff;
	v4 =	vshrl.u32 v0, $0x3;
	v5 =	vshrl.u32 v0, $0xF;
	v1 =	vor.u32 v1, v2;
	s16 =	sadd.s32 $0x10, s16  }
0x3f: {  	v0 =	vshll.u32 v0, $0x16;
	v2 =	vand.u32 $0xFFF, v4;
	v4 =	vand.u32 $0x3FF, v5;
	p1 =	slt.u32 s16, $0x7F0  }
.Ltmp3:
0x40: {  	v0 =	vand.u32 $0x1C00000, v0;
	v2 =	vsel vm1, $0xFFFFFFFF, v2;
	v4 =	vsel vm1, $0xFFFFFFFF, v4;
	(pc) =	sbr.rel @p1 .LBB2_3-.Ltmp3, $4  }
0x41: {  	v0 =	vsel vm1, $0xFFC00000, v0;
	v5 =	vand.u32 $0x7F, v2;
	v6 =	vshll.u32 v4, $0xC  }
0x42: {  	s14 =	sadd.s32 $0x10, s14;
	v2 =	vshll.u32 v2, $0x3;
	v6 =	vand.u32 $0xFFFF8000, v6;
	v7 =	vor.u32 v0, v5;
	(ifvalue) =	ssetifvalue $0x7FFFFFFF  }
0x43: {  	v4 =	vshll.u32 v4, $0x7;
	v2 =	vand.u32 $0xFFFFFC00, v2;
	v5 =	vadd.s32 v6, v7;
	[tilespmem:s14], [sflag:$0x1] =	stream.indirect_vreg.gather [hbm4b:s4+s10], $0x1, v1, vm0, $0x4038;
	[tilespmem:$0x2000] =	vst v63  }
0x44: {  	s17 =	sadd.s32 $0x10, s17;
	vm1 =	veq.s32 v3, $0x80000000;
	v1 =	vand.u32 $0x380, v4;
	v0 =	vmovc v3;
	v2 =	vadd.s32 v2, v5  }
.Ltmp4:
0x45: {  	_ = 	snop;
	(pc) =	sbr.rel .LBB2_4-.Ltmp4, $1  }
0x46: {  	_ =	sdelay $0x3  }
.LBB2_6:
0x47: {  	_ =	sfence.sel $0x180000  }
0x48: {  	s2 =	simm.s32 $0x2;
	[bflag:$0x0] =	sbarrier.arrive $0xFFFF  }
0x49: {  	s30 =	simm.s32 $0x3;
	[sflag:s2] =	ssyncpa.u1 $0x1  }
0x4a: {  	s31 =	simm.s32 $0x1;
	[sflag:s30] =	ssyncpa.u1 $0x1  }
0x4b: {  	[sflag:s31] =	ssyncpa.u1 $0x1  }
0x4c: {  	p0 =	sne.s32 s0, $0x0;
	_ =	strace $0x9000004A  }
0x4d: {  	s0 =	sadd.s32 @!p0 $0x100000, s1;
	[bflag:$0x2] =	sbarrier.arrive $0xFFFF  }
0x4e: {  	[sflag:s0] =	ssyncadd.tile.s32 @!p0 $0x1;
	_ =	shalt  }
.Lfunc_end2:
_tile_overlayer_lowered:
.L_overlay_start_2:
0x4f: {  	(tag) =	ssettag $0x2  }
0x50: {  	s0 =	rddreg [dreg:$0x0];
	s2 =	stileid.u32  }
0x51: {  	s1 =	rddreg [dreg:$0x1];
	p0 =	sne.s32 s2, $0x0  }
0x52: {  	s3 =	rddreg [dreg:$0x2];
	[bflag:$0x3] =	sbarrier.arrive $0xFFFF;
	s2 =	simm.s32 @!p0 $0x1C01  }
0x53: {  	[timem:s3], [sflag:s2] =	dma.local @!p0 [hbm:s0], s1  }
0x54: {  	s0 =	simm.s32 @!p0 $0x1  }
0x55: {  	_ =	swait.ge @!p0 [sflag:s0], s1  }
0x56: {  	s1 =	ssub.s32 @!p0 $0x0, s1;
	[sflag:s0] =	ssyncset.done @!p0 $0x0  }
0x57: {  	[sflag:s0] =	ssyncadd.s32 @!p0 s1  }
0x58: {  	[bflag:$0x3] =	sbarrier.arrive $0xFFFF  }
0x59: {  	_ =	shalt  }

// kernel: gather_offload_async_start
scs
__scs_entry_jumppad:
0x0: {  	(pc) =	sbr.rel $0x88, $3  }
0x1: {  	(tag) =	ssettag $0x0;
	lr =	simm.s32 $0x1  }
0x2: {  	[smem:$0x3F46] =	sst lr;
	_ =	strace $0xD0000000  }
0x3: {  	_ = 	snop  }
0x4: {  	_ = 	snop  }
0x5: {  	_ = 	snop  }
0x6: {  	_ = 	snop  }
0x7: {  	_ = 	snop  }
__scs_overlays_trampoline_lowered:
0x8: {  	[smem:$0x3F55] =	sst s0  }
0x9: {  	[smem:$0x3F56] =	sst s1  }
0xa: {  	[smem:$0x3F57] =	sst s2  }
0xb: {  	[smem:$0x3F58] =	sst s3  }
0xc: {  	[smem:$0x3F59] =	sst s4  }
0xd: {  	[smem:$0x3F5A] =	sst s5  }
0xe: {  	[smem:$0x3F5B] =	sst s6  }
0xf: {  	[smem:$0x3F5C] =	sst s7  }
0x10: {  	[smem:$0x3F5D] =	sst s8  }
0x11: {  	[smem:$0x3F5E] =	sst s9;
	s0 =	simm.s32 @!p0 $0x0  }
0x12: {  	s1 =	sld [smem:$0x3F44];
	s0 =	simm.s32 @p0 $0x1  }
0x13: {  	[smem:$0x3F5F] =	sst s0;
	s0 =	simm.s32 @!p1 $0x0  }
0x14: {  	s2 =	sld [smem:$0x3F43];
	s0 =	simm.s32 @p1 $0x1  }
0x15: {  	[smem:$0x3F60] =	sst s0;
	s0 =	simm.s32 @!p2 $0x0  }
0x16: {  	s3 =	sld [smem:$0x3FDB];
	s0 =	simm.s32 @p2 $0x1  }
0x17: {  	s4 =	simm.s32 $0x1BF5;
	[smem:$0x3F62] =	sst s0  }
0x18: {  	s0 =	sld [smem:$0x3F45];
	_ =	swait.ge [sflag:s4], $0x0  }
0x19: {  	s7 =	sld [smem:$0x3F46]  }
0x1a: {  	s8 =	sadd.s32 $0xFFFFE003, lr  }
0x1b: {  	s9 =	sadd.s32 $0xFFFFFEF7, lr;
	s5 =	simm.s32 $0xFFFFFFFF;
	p2 =	slt.u32 s8, $0xFFFFF086  }
0x1c: {  	p1 =	slt.u32 s9, $0xF7A;
	s5 =	simm.s32 @!p2 $0x0  }
0x1d: {  	s5 =	simm.s32 @p1 $0x1;
	p0 =	seq.s32 s7, s2  }
0x1e: {  	s7 =	smul.u32 @!p0 $0xF7A, s2;
	p2 =	seq.s32 @!p0 s5, $0x0  }
0x1f: {  	s9 =	smul.u32 $0xF7A, s1;
	s8 =	simm.s32 @!p0 $0x1BF5;
	p2 =	por !p2, p0  }
0x20: {  	[sflag:s8] =	ssyncset.s32 @!p0 $0xFFFFF086;
	s6 =	sadd.s32 @!p0 s3, s7;
	s7 =	simm.s32 @!p0 $0x108  }
0x21: {  	s3 =	sadd.s32 s3, s9;
	s6 =	sadd.s32 @!p0 $0x88, s6;
	s7 =	simm.s32 @p2 $0x1082  }
0x22: {  	[simem:s7], [sflag:s8] =	dma.local @!p0 [hbm:s6], $0xF7A  }
0x23: {  	s9 =	sor.u32 $0xD0000000, s2;
	s6 =	simm.s32 $0x108;
	_ =	swait.ge @!p0 [sflag:s8], $0x0  }
0x24: {  	s3 =	sadd.s32 $0x88, s3;
	s6 =	simm.s32 @!p1 $0x1082;
	[sflag:s4] =	ssyncset.s32 $0xFFFFF086  }
0x25: {  	[simem:s6], [sflag:s4] =	dma.local [hbm:s3], $0xF7A  }
0x26: {  	[smem:$0x3F46] =	sst s1;
	(tag) =	ssettag s2;
	_ =	strace s9  }
0x27: {  	s1 =	sld [smem:$0x3F56]  }
0x28: {  	s2 =	sld [smem:$0x3F57]  }
0x29: {  	s4 =	sld [smem:$0x3F59]  }
0x2a: {  	p0 =	seq.s32 s5, $0x0;
	s5 =	sld [smem:$0x3F5A]  }
0x2b: {  	s6 =	sld [smem:$0x3F5B]  }
0x2c: {  	s7 =	sld [smem:$0x3F5C]  }
0x2d: {  	s3 =	simm.s32 $0x108;
	s8 =	sld [smem:$0x3F5D]  }
0x2e: {  	s3 =	simm.s32 @!p0 $0x1082;
	s9 =	sld [smem:$0x3F5E]  }
0x2f: {  	lr =	sadd.s32 s0, s3;
	s0 =	sld [smem:$0x3F55]  }
0x30: {  	s3 =	sld [smem:$0x3F58]  }
0x31: {  	[smem:$0x3F61] =	sst s10  }
0x32: {  	s10 =	sld [smem:$0x3F5F];
	_ =	sdelay $0x3  }
0x33: {  	p0 =	seq.s32 s10, $0x1;
	s10 =	sld [smem:$0x3F61];
	_ =	sdelay $0x3  }
0x34: {  	[smem:$0x3F61] =	sst s10  }
0x35: {  	s10 =	sld [smem:$0x3F60];
	_ =	sdelay $0x3  }
0x36: {  	p1 =	seq.s32 s10, $0x1;
	s10 =	sld [smem:$0x3F61];
	_ =	sdelay $0x3  }
0x37: {  	[smem:$0x3F61] =	sst s10  }
0x38: {  	s10 =	sld [smem:$0x3F62]  }
0x39: {  	_ = 	snop;
	(pc) =	sbr.ind lr, $3  }
0x3a: {  	_ = 	snop  }
0x3b: {  	_ = 	snop  }
0x3c: {  	p2 =	seq.s32 s10, $0x1;
	s10 =	sld [smem:$0x3F61]  }
0x3d: {  	_ =	shalt  }
0x3e: {  	_ =	shalt  }
0x3f: {  	_ =	shalt  }
0x40: {  	_ =	shalt  }
0x41: {  	_ =	shalt  }
0x42: {  	_ =	shalt  }
0x43: {  	_ =	shalt  }
0x44: {  	_ =	shalt  }
0x45: {  	_ =	shalt  }
0x46: {  	_ =	shalt  }
0x47: {  	_ =	shalt  }
0x48: {  	_ =	shalt  }
0x49: {  	_ =	shalt  }
0x4a: {  	_ =	shalt  }
0x4b: {  	_ =	shalt  }
0x4c: {  	_ =	shalt  }
0x4d: {  	_ =	shalt  }
0x4e: {  	_ =	shalt  }
0x4f: {  	_ =	shalt  }
0x50: {  	_ =	shalt  }
0x51: {  	_ =	shalt  }
0x52: {  	_ =	shalt  }
0x53: {  	_ =	shalt  }
0x54: {  	_ =	shalt  }
0x55: {  	_ =	shalt  }
0x56: {  	_ =	shalt  }
0x57: {  	_ =	shalt  }
0x58: {  	_ =	shalt  }
0x59: {  	_ =	shalt  }
0x5a: {  	_ =	shalt  }
0x5b: {  	_ =	shalt  }
0x5c: {  	_ =	shalt  }
0x5d: {  	_ =	shalt  }
0x5e: {  	_ =	shalt  }
0x5f: {  	_ =	shalt  }
0x60: {  	_ =	shalt  }
0x61: {  	_ =	shalt  }
0x62: {  	_ =	shalt  }
0x63: {  	_ =	shalt  }
0x64: {  	_ =	shalt  }
0x65: {  	_ =	shalt  }
0x66: {  	_ =	shalt  }
0x67: {  	_ =	shalt  }
0x68: {  	_ =	shalt  }
0x69: {  	_ =	shalt  }
0x6a: {  	_ =	shalt  }
0x6b: {  	_ =	shalt  }
0x6c: {  	_ =	shalt  }
0x6d: {  	_ =	shalt  }
0x6e: {  	_ =	shalt  }
0x6f: {  	_ =	shalt  }
0x70: {  	_ =	shalt  }
0x71: {  	_ =	shalt  }
0x72: {  	_ =	shalt  }
0x73: {  	_ =	shalt  }
0x74: {  	_ =	shalt  }
0x75: {  	_ =	shalt  }
0x76: {  	_ =	shalt  }
0x77: {  	_ =	shalt  }
0x78: {  	_ =	shalt  }
0x79: {  	_ =	shalt  }
0x7a: {  	_ =	shalt  }
0x7b: {  	_ =	shalt  }
0x7c: {  	_ =	shalt  }
0x7d: {  	_ =	shalt  }
0x7e: {  	_ =	shalt  }
0x7f: {  	_ =	shalt  }
0x80: {  	_ =	shalt  }
0x81: {  	_ =	shalt  }
0x82: {  	_ =	shalt  }
0x83: {  	_ =	shalt  }
0x84: {  	_ =	shalt  }
0x85: {  	_ =	shalt  }
0x86: {  	_ =	shalt  }
0x87: {  	_ =	shalt  }
.Lfunc_end0:
.L_simem_size_0:
called_computation_lowered:
.L_overlay_start_0:
0x88: {  	s2 =	sld [smem:$0x3FD9]  }
0x89: {  	s3 =	sld [smem:$0x3FFE];
	_ =	sdelay $0x1  }
0x8a: {  	s1 =	srdreg.scid  }
0x8b: {  	s0 =	sand.u32 $0x1, s1  }
0x8c: {  	s17 =	sshll.u32 s0, $0xA;
	s2 =	sadd.s32 s3, s2  }
0x8d: {  	s2 =	sadd.s32 s2, s17  }
0x8e: {  	[smem:$0x3F6D] =	sst s2  }
0x8f: {  	_ = 	snop  }
0x90: {  	s2 =	sld [smem:$0x3FD0];
	(tm) =	ssettm $0x1  }
0x91: {  	s18 =	sld [smem:$0x3FFB];
	_ =	sdelay $0x3  }
0x92: {  	_ =	strace s18  }
0x93: {  	s3 =	sld [smem:$0x3FFC];
	_ =	sdelay $0x3  }
0x94: {  	_ =	strace s3  }
0x95: {  	s3 =	sld [smem:$0x3FFD];
	_ =	sdelay $0x3  }
0x96: {  	_ =	strace s3  }
0x97: {  	_ =	strace $0x8FFFFFFF  }
0x98: {  	s19 =	sld [smem:$0x3FDB];
	_ =	sdelay $0x1  }
0x99: {  	s4 =	simm.s32 $_scs_section_size  }
0x9a: {  	s5 =	simm.s32 $_size__tile_overlayer_lowered;
	s6 =	simm.s32 $_tile_overlayer_lowered  }
0x9b: {  	s22 =	simm.s32 $0x1BFF;
	s21 =	sshll.u32 s6, $0x1;
	s3 =	sadd.s32 s4, s19  }
0x9c: {  	s7 =	simm.s32 $0x0;
	s20 =	sshll.u32 s5, $0x1;
	s5 =	sadd.s32 s21, s3  }
0x9d: {  	[timem:s7], [sflag:s22] =	dma.local [hbm:s5], s20  }
0x9e: {  	_ =	swait.ge [sflag:s22], s20  }
0x9f: {  	s4 =	ssub.s32 $0x0, s20;
	[sflag:s22] =	ssyncset.done $0x0  }
0xa0: {  	[sflag:s22] =	ssyncadd.s32 s4;
	_ =	sdelay $0x1  }
0xa1: {  	s23 =	simm.s32 $0x1B8B  }
0xa2: {  	_ =	swait.ge [sflag:s23], $0x1  }
0xa3: {  	[sflag:s23] =	ssyncset.done $0x0  }
0xa4: {  	s25 =	simm.s32 $0x1B8E;
	s24 =	sld [smem:$0x3FFE];
	[sflag:s23] =	ssyncadd.s32 $0xFFFFFFFF  }
0xa5: {  	s26 =	simm.s32 $execute0_lowered;
	[smem:$0x3FD2] =	sst s25  }
0xa6: {  	s5 =	sshll.u32 s26, $0x1;
	_ =	strace $0x80000046;
	[dreg:$0x1] =	wrdreg $0xFFFFFFFF  }
0xa7: {  	s28 =	simm.s32 $_size_execute0_lowered;
	s3 =	sadd.s32 s3, s5;
	[dreg:$0x0] =	wrdreg $0x0  }
0xa8: {  	s5 =	sshll.u32 s28, $0x1;
	[dreg:$0x2] =	wrdreg s3  }
0xa9: {  	[dreg:$0x3] =	wrdreg s5  }
0xaa: {  	[dreg:$0x4] =	wrdreg $0xC0  }
0xab: {  	_ =	task [dreg:s7], $0x5FFFF  }
0xac: {  	[dreg:$0x1] =	wrdreg $0xFFFFFFFF  }
0xad: {  	[dreg:$0x0] =	wrdreg $0x60  }
0xae: {  	[dreg:$0x2] =	wrdreg s24  }
0xaf: {  	[dreg:$0x3] =	wrdreg s2  }
0xb0: {  	[dreg:$0x4] =	wrdreg $0x9  }
0xb1: {  	_ =	task.clear_ibuf [dreg:s7], $0x5FFFF;
	_ =	strace $0x90000046  }
0xb2: {  	s29 =	simm.s32 $0x9;
	_ =	strace $0x80000048  }
0xb3: {  	_ =	swait.ge [sflag:s29], $0x1  }
0xb4: {  	[sflag:s29] =	ssyncadd.s32 $0xFFFFFFFF  }
0xb5: {  	_ =	strace $0x90000048  }
0xb6: {  	_ =	sfence  }
0xb7: {  	s30 =	sld [smem:$0x0];
	_ =	sdelay $0x2  }
0xb8: {  	s31 =	sshll.u32 s1, $0xD;
	s1 =	sshrl.u32 s1, $0x2  }
0xb9: {  	s3 =	sand.u32 $0x4000, s31;
	s1 =	sadd.s32 s1, s30  }
0xba: {  	s0 =	sor.u32 s3, s0;
	s1 =	sshll.u32 s1, $0x11  }
0xbb: {  	s0 =	sor.u32 s1, s0  }
0xbc: {  	s0 =	sadd.s32 $0x8F2B, s0  }
0xbd: {  	[sflag:s0] =	ssyncadd.remote.s32 $0x1  }
0xbe: {  	_ =	sfence.sel $0xFFFF  }
0xbf: {  	[dreg:$0x0] =	wrdreg $0xFFFFFFFF;
	(pc) =	sbr.abs _section_cstart, $3  }
0xc0: {  	[dreg:$0x1] =	wrdreg $0xFFFFFFFF  }
0xc1: {  	_ =	task.clear_ibuf [dreg:s7], $0x2FFFF;
	_ =	strace $0x9FFFFFFF  }
0xc2: {  	(tm) =	ssettm $0x7FFFFFFF  }
0xc3: {  	_ =	shalt  }
tec
execute0_lowered:
.L_overlay_start_1:
0x0: {  	(tag) =	ssettag $0x1  }
0x1: {  	s7 =	rddreg [dreg:$0x0]  }
0x2: {  	s2 =	rddreg [dreg:$0x1]  }
0x3: {  	s0 =	rddreg [dreg:$0x2]  }
0x4: {  	s1 =	srdreg.scid;
	_ =	strace $0x80000047;
	s4 =	simm.s32 $0x1  }
0x5: {  	s9 =	simm.s32 $0x3;
	s12 =	simm.s32 $0x0;
	s5 =	sshll.u32 s1, $0x4  }
.Ltmp0:
0x6: {  	s1 =	stileid.u32;
	s5 =	sand.u32 $0x10, s5;
	(pc) =	sbr.rel .LBB2_1-.Ltmp0, $4  }
0x7: {  	s10 =	simm.s32 $0x0;
	s3 =	sadd.s32 $0x200, s7;
	s6 =	sor.u32 s1, s5  }
0x8: {  	[sflag:s4] =	ssyncpa.u1 $0x0;
	s5 =	simm.s32 $0x2;
	s6 =	sshll.u32 s6, $0x8  }
0x9: {  	s7 =	sadd.s32 $0x80200, s7;
	[sflag:s5] =	ssyncpa.u1 $0x0;
	s8 =	sadd.s32 $0x100, s6  }
0xa: {  	vm0 =	vmmov $0xff;
	vm1 =	vcmask $0x3F20;
	[sflag:s9] =	ssyncpa.u1 $0x0;
	s9 =	simm.s32 $0x100;
	s11 =	smov.u32 s6  }
.LBB2_9:
0xb: {  	p0 =	seq.s32 s10, $0x2  }
.Ltmp1:
0xc: {  	_ = 	snop;
	(pc) =	sbr.rel @p0 .LBB2_11-.Ltmp1, $1  }
0xd: {  	_ =	sdelay $0x3  }
.LBB2_10:
0xe: {  	s12 =	sadd.s32 $0x100, s11  }
0xf: {  	s13 =	smov.u32 s6;
	p0 =	slt.s32 s12, s8  }
0x10: {  	s13 =	smov.u32 @p0 s12  }
0x11: {  	s10 =	sadd.s32 $0x1, s10;
	s12 =	smov.u32 s11;
	s11 =	smov.u32 s13  }
.LBB2_1:
0x12: {  	p0 =	sne.s32 s10, $0x0  }
.Ltmp2:
0x13: {  	_ = 	snop;
	(pc) =	sbr.rel @!p0 .LBB2_2-.Ltmp2, $1  }
0x14: {  	_ =	sdelay $0x3  }
0x15: {  	s13 =	sand.u32 $0x1, s10  }
0x16: {  	p0 =	seq.s32 s13, $0x0  }
.Ltmp3:
0x17: {  	_ = 	snop;
	(pc) =	sbr.rel @p0 .LBB2_9-.Ltmp3, $1  }
0x18: {  	_ =	sdelay $0x3  }
0x19: {  	_ =	swait.ge [sflag:s5], $0x100  }
0x1a: {  	[sflag:s5] =	ssyncset.done $0x0  }
0x1b: {  	s13 =	simm.s32 $0x0;
	[sflag:s5] =	ssyncadd.s32 $0xFFFFFF00  }
0x1c: {  	v0 =	vld.msk [tilespmem:s13+$0x100 ss:$0x1], $0xffff;
	_ =	sdelay $0x4  }
0x1d: {  	v1 =	vshll.u32 v0, $0x4  }
0x1e: {  	vm2 =	veq.s32 v0, $0x80000000;
	v0 =	vshll.u32 v0, $0x13;
	v1 =	vand.u32 $0x7FF80, v1  }
0x1f: {  	v0 =	vand.u32 $0x380000, v0;
	v1 =	vsel vm2, $0xFFFFFF80, v1  }
0x20: {  	v0 =	vsel vm2, $0xFFF80000, v0;
	v2 =	vand.u32 $0xFFFFFC00, v1  }
0x21: {  	v1 =	vand.u32 $0x380, v1;
	v0 =	vadd.s32 v0, v2  }
0x22: {  	v0 =	vor.u32 v1, v0  }
0x23: {  	v0 =	vshrl.u32 v0, $0x3;
	_ =	sdelay $0x3  }
0x24: {  	s13 =	simm.s32 $0x8200  }
0x25: {  	[tilespmem:s13], [sflag:$0x1] =	stream.indirect_vreg.gather [hbm:s3], $0x80, v0, vm0, $0x38;
	[tilespmem:$0x10200] =	vst v63  }
0x26: {  	s14 =	simm.s32 $0x8600;
	s31 =	simm.s32 $0x10  }
0x27: {  	[tilespmem:s14], [sflag:$0x1] =	stream.indirect_vreg.gather [hbm:s3], $0x80, v0, vm1, $0x38;
	[tilespmem:$0x10200] =	vst v63  }
0x28: {  	s14 =	simm.s32 $0x80;
	v0 =	vld.msk [tilespmem:s31+$0x100 ss:$0x1], $0xffff  }
.LBB2_5:
0x29: {  	p0 =	sne.s32 s14, $0x3C0;
	_ =	sdelay $0x4  }
0x2a: {  	v1 =	vshll.u32 v0, $0x4  }
0x2b: {  	vm2 =	veq.s32 v0, $0x80000000;
	v0 =	vshll.u32 v0, $0x13;
	v1 =	vand.u32 $0x7FF80, v1  }
0x2c: {  	v0 =	vand.u32 $0x380000, v0;
	v1 =	vsel vm2, $0xFFFFFF80, v1  }
0x2d: {  	v0 =	vsel vm2, $0xFFF80000, v0;
	v2 =	vand.u32 $0xFFFFFC00, v1  }
0x2e: {  	v1 =	vand.u32 $0x380, v1;
	v0 =	vadd.s32 v0, v2  }
0x2f: {  	v0 =	vor.u32 v1, v0  }
0x30: {  	v0 =	vshrl.u32 v0, $0x3;
	_ =	sdelay $0x3  }
.Ltmp4:
0x31: {  	s13 =	sadd.s32 $0x800, s13;
	(pc) =	sbr.rel @p0 .LBB2_5-.Ltmp4, $4  }
0x32: {  	[tilespmem:s13], [sflag:$0x1] =	stream.indirect_vreg.gather [hbm:s3], $0x80, v0, vm0, $0x38;
	[tilespmem:$0x10200] =	vst v63  }
0x33: {  	s15 =	sshra.s32 s14, $0x2;
	s16 =	sadd.s32 $0x400, s13  }
0x34: {  	[tilespmem:s16], [sflag:$0x1] =	stream.indirect_vreg.gather [hbm:s3], $0x80, v0, vm1, $0x38;
	[tilespmem:$0x10200] =	vst v63  }
0x35: {  	s14 =	sadd.s32 $0x40, s14;
	v0 =	vld.msk [tilespmem:s15+$0x100 ss:$0x1], $0xffff  }
0x36: {  	_ =	sdelay $0x3  }
0x37: {  	v1 =	vshll.u32 v0, $0x4  }
0x38: {  	vm2 =	veq.s32 v0, $0x80000000;
	v63 =	vshll.u32 v0, $0x13;
	v1 =	vand.u32 $0x7FF80, v1  }
0x39: {  	v0 =	vand.u32 $0x380000, v63;
	v1 =	vsel vm2, $0xFFFFFF80, v1  }
0x3a: {  	v0 =	vsel vm2, $0xFFF80000, v0;
	v2 =	vand.u32 $0xFFFFFC00, v1  }
0x3b: {  	v1 =	vand.u32 $0x380, v1;
	v0 =	vadd.s32 v0, v2  }
0x3c: {  	v0 =	vor.u32 v1, v0  }
0x3d: {  	v0 =	vshrl.u32 v0, $0x3;
	_ =	sdelay $0x3  }
0x3e: {  	s13 =	sadd.s32 $0x800, s13  }
0x3f: {  	[tilespmem:s13], [sflag:$0x1] =	stream.indirect_vreg.gather [hbm:s3], $0x80, v0, vm0, $0x38;
	[tilespmem:$0x10200] =	vst v63  }
0x40: {  	s13 =	sadd.s32 $0x400, s13  }
0x41: {  	[tilespmem:s13], [sflag:$0x1] =	stream.indirect_vreg.gather [hbm:s3], $0x80, v0, vm1, $0x38;
	[tilespmem:$0x10200] =	vst v63  }
0x42: {  	s12 =	sshll.u32 s12, $0x4;
	s14 =	simm.s32 $0x80;
	_ =	swait.ge [sflag:s4], $0x8000  }
0x43: {  	s15 =	simm.s32 $0x8600;
	s12 =	sadd.s32 s12, s7;
	[sflag:s4] =	ssyncset.done $0x0  }
0x44: {  	s16 =	sadd.s32 $0x0, s12;
	s13 =	simm.s32 $0x8200;
	[sflag:s4] =	ssyncadd.s32 $0xFFFF8000  }
.LBB2_7:
0x45: {  	[hbm:s16] =	stream.linear.scatter [tilespmem:s13], [sflag:$0x3], $0x400, $0x38;
	[tilespmem:$0x10200] =	vst v63  }
0x46: {  	s16 =	smov.u32 s14;
	s13 =	smov.u32 s15;
	p0 =	sne.s32 s14, $0xF80  }
.Ltmp5:
0x47: {  	s14 =	sadd.s32 $0x80, s14;
	(pc) =	sbr.rel @p0 .LBB2_7-.Ltmp5, $2  }
0x48: {  	_ =	sdelay $0x2  }
0x49: {  	s15 =	sadd.s32 $0x400, s15;
	s16 =	sadd.s32 s16, s12  }
.Ltmp6:
0x4a: {  	(pc) =	sbr.rel .LBB2_9-.Ltmp6, $2  }
0x4b: {  	_ =	sdelay $0x2  }
0x4c: {  	[hbm:s16] =	stream.linear.scatter [tilespmem:s13], [sflag:$0x3], $0x400, $0x38;
	[tilespmem:$0x10200] =	vst v63  }
.LBB2_2:
.Ltmp7:
0x4d: {  	(pc) =	sbr.rel .LBB2_10-.Ltmp7, $4  }
0x4e: {  	_ = 	snop  }
0x4f: {  	s12 =	sshrl.u32 s11, $0x3  }
0x50: {  	s13 =	sand.u32 $0x7, s11;
	s12 =	sadd.s32 s2, s12  }
0x51: {  	[tilespmem:s9], [sflag:$0x2] =	stream.linear.gather [hbm4b:s12+s13], $0x100, $0x38;
	[tilespmem:$0x10200] =	vst v63  }
.LBB2_11:
0x52: {  	s2 =	simm.s32 $0x3  }
0x53: {  	_ =	swait.ge [sflag:s2], $0x8000  }
0x54: {  	[sflag:s2] =	ssyncset.done $0x0  }
0x55: {  	[sflag:s2] =	ssyncadd.s32 $0xFFFF8000  }
0x56: {  	_ =	sfence.sel $0x180000  }
0x57: {  	s3 =	simm.s32 $0x2;
	[bflag:$0x0] =	sbarrier.arrive $0xFFFF  }
0x58: {  	[sflag:s3] =	ssyncpa.u1 $0x1  }
0x59: {  	s31 =	simm.s32 $0x1;
	[sflag:s2] =	ssyncpa.u1 $0x1  }
0x5a: {  	[sflag:s31] =	ssyncpa.u1 $0x1  }
0x5b: {  	p0 =	sne.s32 s1, $0x0;
	_ =	strace $0x90000047  }
0x5c: {  	s0 =	sadd.s32 @!p0 $0x100000, s0;
	[bflag:$0x2] =	sbarrier.arrive $0xFFFF  }
0x5d: {  	[sflag:s0] =	ssyncadd.tile.s32 @!p0 $0x1;
	_ =	shalt  }
.Lfunc_end2:
_tile_overlayer_lowered:
.L_overlay_start_2:
0x5e: {  	(tag) =	ssettag $0x2  }
0x5f: {  	s0 =	rddreg [dreg:$0x0];
	s2 =	stileid.u32  }
0x60: {  	s1 =	rddreg [dreg:$0x1];
	p0 =	sne.s32 s2, $0x0  }
0x61: {  	s3 =	rddreg [dreg:$0x2];
	[bflag:$0x3] =	sbarrier.arrive $0xFFFF;
	s2 =	simm.s32 @!p0 $0x1C01  }
0x62: {  	[timem:s3], [sflag:s2] =	dma.local @!p0 [hbm:s0], s1  }
0x63: {  	s0 =	simm.s32 @!p0 $0x1  }
0x64: {  	_ =	swait.ge @!p0 [sflag:s0], s1  }
0x65: {  	s1 =	ssub.s32 @!p0 $0x0, s1;
	[sflag:s0] =	ssyncset.done @!p0 $0x0  }
0x66: {  	[sflag:s0] =	ssyncadd.s32 @!p0 s1  }
0x67: {  	[bflag:$0x3] =	sbarrier.arrive $0xFFFF  }
0x68: {  	_ =	shalt  }

</sc_bundles>
